<compile_context>
chip_gen: v7x
topology: tpu7x:2x2x1
jax: 0.10.2.dev20260603
libtpu: 0.0.44.dev20260713+nightly
codegen_flags: <defaults>
</compile_context>

<pallas_src>
import functools

import jax
import jax.numpy as jnp
from jax import lax
from jax.experimental import pallas as pl
from jax.experimental.pallas import tpu as pltpu
from jax.experimental.pallas import tpu_sc as plsc

_N = 10000
_E = 320000
_D = 128
_NCORES = 2
_NSUB = 16
_CH = 125
_NCH = 80
_ZROWS = _N // _NSUB
_NB = 4

_DNUMS = (((1,), (1,)), ((), ()))


def _mm1_body(x_ref, w_ref, o_ref):
    h = lax.dot_general(x_ref[...], w_ref[...], _DNUMS,
                        preferred_element_type=jnp.float32)
    o_ref[...] = h.astype(jnp.bfloat16)


_matmul1 = pl.pallas_call(
    _mm1_body,
    grid=(5,),
    in_specs=[pl.BlockSpec((2000, _D), lambda i: (i, 0)),
              pl.BlockSpec((_D, _D), lambda i: (0, 0))],
    out_specs=pl.BlockSpec((2000, _D), lambda i: (i, 0)),
    out_shape=jax.ShapeDtypeStruct((_N, _D), jnp.bfloat16),
)


def _mm2_body(a_ref, b_ref, w_ref, o_ref):
    h = a_ref[...].astype(jnp.float32) + b_ref[...].astype(jnp.float32)
    h = jnp.maximum(h, 0.0)
    h = lax.dot_general(h, w_ref[...], _DNUMS,
                        preferred_element_type=jnp.float32)
    o_ref[...] = h.astype(jnp.bfloat16)


_matmul2 = pl.pallas_call(
    _mm2_body,
    grid=(5,),
    in_specs=[pl.BlockSpec((2000, _D), lambda i: (i, 0)),
              pl.BlockSpec((2000, _D), lambda i: (i, 0)),
              pl.BlockSpec((_D, _D), lambda i: (0, 0))],
    out_specs=pl.BlockSpec((2000, _D), lambda i: (i, 0)),
    out_shape=jax.ShapeDtypeStruct((_N, _D), jnp.bfloat16),
)


def _lsm_body(a_ref, b_ref, o_ref):
    h = a_ref[...].astype(jnp.float32) + b_ref[...].astype(jnp.float32)
    m = jnp.max(h, axis=-1, keepdims=True)
    e = jnp.exp(h - m)
    s = jnp.sum(e, axis=-1, keepdims=True)
    o_ref[...] = h - m - jnp.log(s)


_logsoftmax = pl.pallas_call(
    _lsm_body,
    grid=(5,),
    in_specs=[pl.BlockSpec((2000, _D), lambda i: (i, 0)),
              pl.BlockSpec((2000, _D), lambda i: (i, 0))],
    out_specs=pl.BlockSpec((2000, _D), lambda i: (i, 0)),
    out_shape=jax.ShapeDtypeStruct((_N, _D), jnp.float32),
)


def _make_agg():
    mesh = plsc.VectorSubcoreMesh(core_axis_name="c", subcore_axis_name="s")

    @functools.partial(
        pl.kernel,
        mesh=mesh,
        compiler_params=pltpu.CompilerParams(use_tc_tiling_on_sc=False),
        out_type=(jax.ShapeDtypeStruct((_N, _D), jnp.bfloat16),
                  jax.ShapeDtypeStruct((_N, _D), jnp.bfloat16)),
        scratch_types=[
            pltpu.VMEM((_NCH, _CH), jnp.int32),
            pltpu.VMEM((_NCH, _CH), jnp.int32),
            pltpu.VMEM((_CH, _D), jnp.bfloat16),
            pltpu.VMEM((_CH, _D), jnp.bfloat16),
            pltpu.VMEM((_CH, _D), jnp.bfloat16),
            pltpu.VMEM((_CH, _D), jnp.bfloat16),
            pltpu.VMEM_SHARED((_N, _D), jnp.bfloat16),
            pltpu.SemaphoreType.DMA,
            pltpu.SemaphoreType.DMA,
            pltpu.SemaphoreType.DMA,
            pltpu.SemaphoreType.DMA,
            pltpu.SemaphoreType.DMA,
            pltpu.SemaphoreType.DMA,
            pltpu.SemaphoreType.DMA,
            pltpu.SemaphoreType.DMA,
        ],
    )
    def agg(h_hbm, e_hbm, zeros_hbm, out0_hbm, out1_hbm,
            src_v, dst_v, buf0, buf1, buf2, buf3, acc_sh,
            gsem0, gsem1, gsem2, gsem3, ssem0, ssem1, ssem2, ssem3):
        c = lax.axis_index("c")
        s = lax.axis_index("s")
        base = (c * _NSUB + s) * _NCH
        zbase = s * _ZROWS

        pltpu.sync_copy(e_hbm.at[0, pl.ds(base, _NCH)], src_v)
        pltpu.sync_copy(e_hbm.at[1, pl.ds(base, _NCH)], dst_v)
        pltpu.sync_copy(zeros_hbm, acc_sh.at[pl.ds(zbase, _ZROWS)])
        plsc.subcore_barrier()

        bufs = [buf0, buf1, buf2, buf3]
        gsems = [gsem0, gsem1, gsem2, gsem3]
        ssems = [ssem0, ssem1, ssem2, ssem3]

        for b in range(_NB):
            pltpu.async_copy(h_hbm.at[src_v.at[b]], bufs[b], gsems[b])

        @pl.loop(0, _NCH, step=_NB)
        def _edges(i):
            for b in range(_NB):
                cc = i + b
                pltpu.make_async_copy(
                    h_hbm.at[src_v.at[cc]], bufs[b], gsems[b]).wait()
                pltpu.async_copy(
                    bufs[b], acc_sh.at[dst_v.at[cc]], ssems[b], add=True)
                d = (b - 2) % _NB
                cd = cc - 2

                @pl.when(jnp.logical_and(cd >= 0, cd + _NB < _NCH))
                def _():
                    pltpu.make_async_copy(
                        bufs[d], acc_sh.at[dst_v.at[cd]], ssems[d]).wait()
                    pltpu.async_copy(
                        h_hbm.at[src_v.at[cd + _NB]], bufs[d], gsems[d])

        for b in range(_NB):
            pltpu.make_async_copy(
                bufs[b], acc_sh.at[dst_v.at[_NCH - _NB + b]], ssems[b]).wait()

        plsc.subcore_barrier()

        @pl.when(c == 0)
        def _():
            pltpu.sync_copy(acc_sh.at[pl.ds(zbase, _ZROWS)],
                            out0_hbm.at[pl.ds(zbase, _ZROWS)])

        @pl.when(c == 1)
        def _():
            pltpu.sync_copy(acc_sh.at[pl.ds(zbase, _ZROWS)],
                            out1_hbm.at[pl.ds(zbase, _ZROWS)])

    return agg


_agg = _make_agg()


def kernel(x, edge_index, W1, W2):
    e3 = edge_index.astype(jnp.int32).reshape(2, -1, _CH)
    zeros = jnp.zeros((_ZROWS, _D), jnp.bfloat16)

    h1 = _matmul1(x, W1)
    p0, p1 = _agg(h1, e3, zeros)
    h2 = _matmul2(p0, p1, W2)
    q0, q1 = _agg(h2, e3, zeros)
    return _logsoftmax(q0, q1)

# --- scband reference (transcript-rebuilt; emitter-appended) ---
"""Pipeline reference for scband-gcn-50096498540828 (READ-ONLY COPY).

The authoritative reference and input builder live on the scoring server;
editing this copy changes nothing except your own understanding.
"""

import jax, jax.numpy as jnp
import numpy as np

N_NODES = 10000
N_EDGES = 320000
D_IN = 128
D_HID = 128
D_OUT = 128

def setup_inputs(seed: int = 0) -> dict:
    key = jax.random.key(seed)
    k1, k2, k3, k4 = jax.random.split(key, 4)
    x = jax.random.normal(k1, (N_NODES, D_IN), dtype=jnp.float32)
    edge_index = jax.random.randint(k2, (2, N_EDGES), 0, N_NODES, dtype=jnp.int64)
    # Linear weights, PyTorch convention: weight shape [out_features, in_features], no bias
    W1 = jax.random.normal(k3, (D_HID, D_IN), dtype=jnp.float32) * (1.0 / np.sqrt(D_IN))
    W2 = jax.random.normal(k4, (D_OUT, D_HID), dtype=jnp.float32) * (1.0 / np.sqrt(D_HID))
    return {"x": x, "edge_index": edge_index, "W1": W1, "W2": W2}

def _gcn_conv(x, edge_index, W):
    # lin (no bias)
    h = x @ W.T
    # propagate with aggr='add': message = x_j = h[src], scatter-add into dst
    src = edge_index[0]
    dst = edge_index[1]
    msgs = jnp.take(h, src, axis=0)
    out = jax.ops.segment_sum(msgs, dst, num_segments=N_NODES)
    return out

def reference(x, edge_index, W1, W2):
    h = _gcn_conv(x, edge_index, W1)
    h = jax.nn.relu(h)
    h = _gcn_conv(h, edge_index, W2)
    return jax.nn.log_softmax(h, axis=-1)

if __name__ == "__main__":
    import jax
    _d = setup_inputs()
    print(jax.jit(kernel)(*tuple(_d.values())))

</pallas_src>

<mosaic_0001>
#map = affine_map<(d0, d1) -> (0, 0)>
#map1 = affine_map<(d0, d1) -> (0, 0, 0)>
module attributes {stable_mosaic.version = 14 : i64} {
  func.func @agg(%arg0: i32, %arg1: i32, %arg2: memref<10000x128xbf16, #tpu.memory_space<hbm>>, %arg3: memref<2x2560x125xi32, #tpu.memory_space<hbm>>, %arg4: memref<625x128xbf16, #tpu.memory_space<hbm>>, %arg5: memref<10000x128xbf16, #tpu.memory_space<hbm>>, %arg6: memref<10000x128xbf16, #tpu.memory_space<hbm>>, %arg7: memref<80x125xi32, #tpu.memory_space<vmem>>, %arg8: memref<80x125xi32, #tpu.memory_space<vmem>>, %arg9: memref<125x128xbf16, #tpu.memory_space<vmem>>, %arg10: memref<125x128xbf16, #tpu.memory_space<vmem>>, %arg11: memref<125x128xbf16, #tpu.memory_space<vmem>>, %arg12: memref<125x128xbf16, #tpu.memory_space<vmem>>, %arg13: memref<10000x128xbf16, #tpu.memory_space<vmem_shared>>, %arg14: memref<!tpu.dma_semaphore, #tpu.memory_space<semaphore_mem>>, %arg15: memref<!tpu.dma_semaphore, #tpu.memory_space<semaphore_mem>>, %arg16: memref<!tpu.dma_semaphore, #tpu.memory_space<semaphore_mem>>, %arg17: memref<!tpu.dma_semaphore, #tpu.memory_space<semaphore_mem>>, %arg18: memref<!tpu.dma_semaphore, #tpu.memory_space<semaphore_mem>>, %arg19: memref<!tpu.dma_semaphore, #tpu.memory_space<semaphore_mem>>, %arg20: memref<!tpu.dma_semaphore, #tpu.memory_space<semaphore_mem>>, %arg21: memref<!tpu.dma_semaphore, #tpu.memory_space<semaphore_mem>>) attributes {dimension_semantics = [#tpu.dimension_semantics<core_parallel>, #tpu.dimension_semantics<subcore_parallel>], iteration_bounds = array<i64: 2, 16>, scalar_prefetch = 0 : i64, scratch_operands = 15 : i64, tpu.core_type = #tpu.core_type<sc_vector_subcore>, window_params = [{transform_indices = #map}, {transform_indices = #map1}, {transform_indices = #map}, {transform_indices = #map}, {transform_indices = #map}]} {
    %mul3A = arith.constant 16 : i32
    %mul3A_0 = arith.muli %arg0, %mul3A : i32
    %add3A = arith.addi %mul3A_0, %arg1 : i32
    %mul3A_1 = arith.constant 80 : i32
    %mul3A_2 = arith.muli %add3A, %mul3A_1 : i32
    %mul3A_3 = arith.constant 625 : i32
    %mul3A_4 = arith.muli %arg1, %mul3A_3 : i32
    %run_scoped3A = arith.constant 0 : i32
    "tpu.region"() ({
      %run_scoped3A_72 = tpu.sem_alloc : memref<!tpu.dma_semaphore, #tpu.memory_space<semaphore_mem>>
      %dma_start3A_73 = arith.constant 0 : i32
      %dma_start3A_74 = tpu.memref_slice %arg3[%run_scoped3A, %mul3A_2, %dma_start3A_73] : memref<2x2560x125xi32, #tpu.memory_space<hbm>> -> memref<1x80x125xi32, #tpu.memory_space<hbm>>
      %dma_start3A_75 = tpu.memref_squeeze %dma_start3A_74 : memref<1x80x125xi32, #tpu.memory_space<hbm>> -> memref<80x125xi32, #tpu.memory_space<hbm>>
      %dma_start3A_76 = arith.constant 0 : i32
      %dma_start3A_77 = tpu.memref_slice %arg3[%run_scoped3A, %mul3A_2, %dma_start3A_76] : memref<2x2560x125xi32, #tpu.memory_space<hbm>> -> memref<1x80x125xi32, #tpu.memory_space<hbm>>
      %dma_start3A_78 = tpu.memref_squeeze %dma_start3A_77 : memref<1x80x125xi32, #tpu.memory_space<hbm>> -> memref<80x125xi32, #tpu.memory_space<hbm>>
      tpu.enqueue_dma source(%dma_start3A_78 : memref<80x125xi32, #tpu.memory_space<hbm>>) target(%arg7 : memref<80x125xi32, #tpu.memory_space<vmem>>) target_semaphore(%run_scoped3A_72 : memref<!tpu.dma_semaphore, #tpu.memory_space<semaphore_mem>>)
      %dma_wait3A_79 = arith.constant 0 : i32
      %dma_wait3A_80 = tpu.memref_slice %arg3[%run_scoped3A, %mul3A_2, %dma_wait3A_79] : memref<2x2560x125xi32, #tpu.memory_space<hbm>> -> memref<1x80x125xi32, #tpu.memory_space<hbm>>
      %dma_wait3A_81 = tpu.memref_squeeze %dma_wait3A_80 : memref<1x80x125xi32, #tpu.memory_space<hbm>> -> memref<80x125xi32, #tpu.memory_space<hbm>>
      %dma_wait3A_82 = arith.constant 0 : i32
      %dma_wait3A_83 = tpu.memref_slice %arg3[%run_scoped3A, %mul3A_2, %dma_wait3A_82] : memref<2x2560x125xi32, #tpu.memory_space<hbm>> -> memref<1x80x125xi32, #tpu.memory_space<hbm>>
      %dma_wait3A_84 = tpu.memref_squeeze %dma_wait3A_83 : memref<1x80x125xi32, #tpu.memory_space<hbm>> -> memref<80x125xi32, #tpu.memory_space<hbm>>
      tpu.wait_dma2 semaphore(%run_scoped3A_72 : memref<!tpu.dma_semaphore, #tpu.memory_space<semaphore_mem>>) src(%dma_wait3A_84 : memref<80x125xi32, #tpu.memory_space<hbm>>) dst(%arg7 : memref<80x125xi32, #tpu.memory_space<vmem>>)
      tpu.yield
    }) : () -> ()
    %run_scoped3A_5 = arith.constant 1 : i32
    "tpu.region"() ({
      %run_scoped3A_72 = tpu.sem_alloc : memref<!tpu.dma_semaphore, #tpu.memory_space<semaphore_mem>>
      %dma_start3A_73 = arith.constant 0 : i32
      %dma_start3A_74 = tpu.memref_slice %arg3[%run_scoped3A_5, %mul3A_2, %dma_start3A_73] : memref<2x2560x125xi32, #tpu.memory_space<hbm>> -> memref<1x80x125xi32, #tpu.memory_space<hbm>>
      %dma_start3A_75 = tpu.memref_squeeze %dma_start3A_74 : memref<1x80x125xi32, #tpu.memory_space<hbm>> -> memref<80x125xi32, #tpu.memory_space<hbm>>
      %dma_start3A_76 = arith.constant 0 : i32
      %dma_start3A_77 = tpu.memref_slice %arg3[%run_scoped3A_5, %mul3A_2, %dma_start3A_76] : memref<2x2560x125xi32, #tpu.memory_space<hbm>> -> memref<1x80x125xi32, #tpu.memory_space<hbm>>
      %dma_start3A_78 = tpu.memref_squeeze %dma_start3A_77 : memref<1x80x125xi32, #tpu.memory_space<hbm>> -> memref<80x125xi32, #tpu.memory_space<hbm>>
      tpu.enqueue_dma source(%dma_start3A_78 : memref<80x125xi32, #tpu.memory_space<hbm>>) target(%arg8 : memref<80x125xi32, #tpu.memory_space<vmem>>) target_semaphore(%run_scoped3A_72 : memref<!tpu.dma_semaphore, #tpu.memory_space<semaphore_mem>>)
      %dma_wait3A_79 = arith.constant 0 : i32
      %dma_wait3A_80 = tpu.memref_slice %arg3[%run_scoped3A_5, %mul3A_2, %dma_wait3A_79] : memref<2x2560x125xi32, #tpu.memory_space<hbm>> -> memref<1x80x125xi32, #tpu.memory_space<hbm>>
      %dma_wait3A_81 = tpu.memref_squeeze %dma_wait3A_80 : memref<1x80x125xi32, #tpu.memory_space<hbm>> -> memref<80x125xi32, #tpu.memory_space<hbm>>
      %dma_wait3A_82 = arith.constant 0 : i32
      %dma_wait3A_83 = tpu.memref_slice %arg3[%run_scoped3A_5, %mul3A_2, %dma_wait3A_82] : memref<2x2560x125xi32, #tpu.memory_space<hbm>> -> memref<1x80x125xi32, #tpu.memory_space<hbm>>
      %dma_wait3A_84 = tpu.memref_squeeze %dma_wait3A_83 : memref<1x80x125xi32, #tpu.memory_space<hbm>> -> memref<80x125xi32, #tpu.memory_space<hbm>>
      tpu.wait_dma2 semaphore(%run_scoped3A_72 : memref<!tpu.dma_semaphore, #tpu.memory_space<semaphore_mem>>) src(%dma_wait3A_84 : memref<80x125xi32, #tpu.memory_space<hbm>>) dst(%arg8 : memref<80x125xi32, #tpu.memory_space<vmem>>)
      tpu.yield
    }) : () -> ()
    "tpu.region"() ({
      %run_scoped3A_72 = tpu.sem_alloc : memref<!tpu.dma_semaphore, #tpu.memory_space<semaphore_mem>>
      %dma_start3A_73 = arith.constant 0 : i32
      %dma_start3A_74 = tpu.memref_slice %arg13[%mul3A_4, %dma_start3A_73] : memref<10000x128xbf16, #tpu.memory_space<vmem_shared>> -> memref<625x128xbf16, #tpu.memory_space<vmem_shared>>
      tpu.enqueue_dma source(%arg4 : memref<625x128xbf16, #tpu.memory_space<hbm>>) target(%dma_start3A_74 : memref<625x128xbf16, #tpu.memory_space<vmem_shared>>) target_semaphore(%run_scoped3A_72 : memref<!tpu.dma_semaphore, #tpu.memory_space<semaphore_mem>>)
      %dma_wait3A_75 = arith.constant 0 : i32
      %dma_wait3A_76 = tpu.memref_slice %arg13[%mul3A_4, %dma_wait3A_75] : memref<10000x128xbf16, #tpu.memory_space<vmem_shared>> -> memref<625x128xbf16, #tpu.memory_space<vmem_shared>>
      tpu.wait_dma2 semaphore(%run_scoped3A_72 : memref<!tpu.dma_semaphore, #tpu.memory_space<semaphore_mem>>) src(%arg4 : memref<625x128xbf16, #tpu.memory_space<hbm>>) dst(%dma_wait3A_76 : memref<625x128xbf16, #tpu.memory_space<vmem_shared>>)
      tpu.yield
    }) : () -> ()
    %barrier3A = arith.constant 0 : index
    tpu.barrier barrier_id(%barrier3A)
    %dma_start3A = arith.constant 0 : i32
    %dma_start3A_6 = arith.constant 0 : i32
    %dma_start3A_7 = tpu.memref_slice %arg7[%dma_start3A, %dma_start3A_6] : memref<80x125xi32, #tpu.memory_space<vmem>> -> memref<1x125xi32, #tpu.memory_space<vmem>>
    %dma_start3A_8 = tpu.memref_squeeze %dma_start3A_7 : memref<1x125xi32, #tpu.memory_space<vmem>> -> memref<125xi32, #tpu.memory_space<vmem>>
    %dma_start3A_9 = arith.constant 0 : i32
    %dma_start3A_10 = arith.constant 0 : i32
    %dma_start3A_11 = tpu.memref_slice %arg2[%dma_start3A_9, %dma_start3A_10] : memref<10000x128xbf16, #tpu.memory_space<hbm>> -> memref<10000x128xbf16, #tpu.memory_space<hbm>>
    tpu.enqueue_indirect_dma source(%dma_start3A_11 : memref<10000x128xbf16, #tpu.memory_space<hbm>>) target(%arg9 : memref<125x128xbf16, #tpu.memory_space<vmem>>) offsets(%dma_start3A_8 : memref<125xi32, #tpu.memory_space<vmem>>) semaphore(%arg14 : memref<!tpu.dma_semaphore, #tpu.memory_space<semaphore_mem>>)
    %dma_start3A_12 = arith.constant 1 : i32
    %dma_start3A_13 = arith.constant 0 : i32
    %dma_start3A_14 = tpu.memref_slice %arg7[%dma_start3A_12, %dma_start3A_13] : memref<80x125xi32, #tpu.memory_space<vmem>> -> memref<1x125xi32, #tpu.memory_space<vmem>>
    %dma_start3A_15 = tpu.memref_squeeze %dma_start3A_14 : memref<1x125xi32, #tpu.memory_space<vmem>> -> memref<125xi32, #tpu.memory_space<vmem>>
    %dma_start3A_16 = arith.constant 0 : i32
    %dma_start3A_17 = arith.constant 0 : i32
    %dma_start3A_18 = tpu.memref_slice %arg2[%dma_start3A_16, %dma_start3A_17] : memref<10000x128xbf16, #tpu.memory_space<hbm>> -> memref<10000x128xbf16, #tpu.memory_space<hbm>>
    tpu.enqueue_indirect_dma source(%dma_start3A_18 : memref<10000x128xbf16, #tpu.memory_space<hbm>>) target(%arg10 : memref<125x128xbf16, #tpu.memory_space<vmem>>) offsets(%dma_start3A_15 : memref<125xi32, #tpu.memory_space<vmem>>) semaphore(%arg15 : memref<!tpu.dma_semaphore, #tpu.memory_space<semaphore_mem>>)
    %dma_start3A_19 = arith.constant 2 : i32
    %dma_start3A_20 = arith.constant 0 : i32
    %dma_start3A_21 = tpu.memref_slice %arg7[%dma_start3A_19, %dma_start3A_20] : memref<80x125xi32, #tpu.memory_space<vmem>> -> memref<1x125xi32, #tpu.memory_space<vmem>>
    %dma_start3A_22 = tpu.memref_squeeze %dma_start3A_21 : memref<1x125xi32, #tpu.memory_space<vmem>> -> memref<125xi32, #tpu.memory_space<vmem>>
    %dma_start3A_23 = arith.constant 0 : i32
    %dma_start3A_24 = arith.constant 0 : i32
    %dma_start3A_25 = tpu.memref_slice %arg2[%dma_start3A_23, %dma_start3A_24] : memref<10000x128xbf16, #tpu.memory_space<hbm>> -> memref<10000x128xbf16, #tpu.memory_space<hbm>>
    tpu.enqueue_indirect_dma source(%dma_start3A_25 : memref<10000x128xbf16, #tpu.memory_space<hbm>>) target(%arg11 : memref<125x128xbf16, #tpu.memory_space<vmem>>) offsets(%dma_start3A_22 : memref<125xi32, #tpu.memory_space<vmem>>) semaphore(%arg16 : memref<!tpu.dma_semaphore, #tpu.memory_space<semaphore_mem>>)
    %dma_start3A_26 = arith.constant 3 : i32
    %dma_start3A_27 = arith.constant 0 : i32
    %dma_start3A_28 = tpu.memref_slice %arg7[%dma_start3A_26, %dma_start3A_27] : memref<80x125xi32, #tpu.memory_space<vmem>> -> memref<1x125xi32, #tpu.memory_space<vmem>>
    %dma_start3A_29 = tpu.memref_squeeze %dma_start3A_28 : memref<1x125xi32, #tpu.memory_space<vmem>> -> memref<125xi32, #tpu.memory_space<vmem>>
    %dma_start3A_30 = arith.constant 0 : i32
    %dma_start3A_31 = arith.constant 0 : i32
    %dma_start3A_32 = tpu.memref_slice %arg2[%dma_start3A_30, %dma_start3A_31] : memref<10000x128xbf16, #tpu.memory_space<hbm>> -> memref<10000x128xbf16, #tpu.memory_space<hbm>>
    tpu.enqueue_indirect_dma source(%dma_start3A_32 : memref<10000x128xbf16, #tpu.memory_space<hbm>>) target(%arg12 : memref<125x128xbf16, #tpu.memory_space<vmem>>) offsets(%dma_start3A_29 : memref<125xi32, #tpu.memory_space<vmem>>) semaphore(%arg17 : memref<!tpu.dma_semaphore, #tpu.memory_space<semaphore_mem>>)
    %scan3A = arith.constant 0 : i32
    %scan3A_33 = arith.constant 20 : i32
    %scan3A_34 = arith.addi %scan3A, %scan3A_33 : i32
    %scan3A_35 = arith.constant 1 : i32
    scf.for %scan3A_72 = %scan3A to %scan3A_34 step %scan3A_35  : i32 {
      %mul3A_73 = arith.constant 4 : i32
      %mul3A_74 = arith.muli %scan3A_72, %mul3A_73 : i32
      %add3A_75 = arith.constant 0 : i32
      %add3A_76 = arith.addi %add3A_75, %mul3A_74 : i32
      %add3A_77 = arith.constant 0 : i32
      %add3A_78 = arith.addi %add3A_76, %add3A_77 : i32
      %dma_wait3A_79 = arith.constant 0 : i32
      %dma_wait3A_80 = tpu.memref_slice %arg7[%add3A_78, %dma_wait3A_79] : memref<80x125xi32, #tpu.memory_space<vmem>> -> memref<1x125xi32, #tpu.memory_space<vmem>>
      %dma_wait3A_81 = tpu.memref_squeeze %dma_wait3A_80 : memref<1x125xi32, #tpu.memory_space<vmem>> -> memref<125xi32, #tpu.memory_space<vmem>>
      %dma_wait3A_82 = arith.constant 0 : i32
      %dma_wait3A_83 = arith.constant 0 : i32
      %dma_wait3A_84 = tpu.memref_slice %arg2[%dma_wait3A_82, %dma_wait3A_83] : memref<10000x128xbf16, #tpu.memory_space<hbm>> -> memref<10000x128xbf16, #tpu.memory_space<hbm>>
      tpu.wait_indirect_dma semaphore(%arg14 : memref<!tpu.dma_semaphore, #tpu.memory_space<semaphore_mem>>) src(%dma_wait3A_84 : memref<10000x128xbf16, #tpu.memory_space<hbm>>) dst(%arg9 : memref<125x128xbf16, #tpu.memory_space<vmem>>)
      %dma_start3A_85 = arith.constant 0 : i32
      %dma_start3A_86 = tpu.memref_slice %arg8[%add3A_78, %dma_start3A_85] : memref<80x125xi32, #tpu.memory_space<vmem>> -> memref<1x125xi32, #tpu.memory_space<vmem>>
      %dma_start3A_87 = tpu.memref_squeeze %dma_start3A_86 : memref<1x125xi32, #tpu.memory_space<vmem>> -> memref<125xi32, #tpu.memory_space<vmem>>
      %dma_start3A_88 = arith.constant 0 : i32
      %dma_start3A_89 = arith.constant 0 : i32
      %dma_start3A_90 = tpu.memref_slice %arg13[%dma_start3A_88, %dma_start3A_89] : memref<10000x128xbf16, #tpu.memory_space<vmem_shared>> -> memref<10000x128xbf16, #tpu.memory_space<vmem_shared>>
      tpu.enqueue_indirect_dma source(%arg9 : memref<125x128xbf16, #tpu.memory_space<vmem>>) target(%dma_start3A_90 : memref<10000x128xbf16, #tpu.memory_space<vmem_shared>>) offsets(%dma_start3A_87 : memref<125xi32, #tpu.memory_space<vmem>>) semaphore(%arg18 : memref<!tpu.dma_semaphore, #tpu.memory_space<semaphore_mem>>) {add = true}
      %sub3A = arith.constant 2 : i32
      %sub3A_91 = arith.subi %add3A_78, %sub3A : i32
      %ge3A = arith.constant 0 : i32
      %ge3A_92 = arith.cmpi sge, %sub3A_91, %ge3A : i32
      %add3A_93 = arith.constant 4 : i32
      %add3A_94 = arith.addi %sub3A_91, %add3A_93 : i32
      %lt3A = arith.constant 80 : i32
      %lt3A_95 = arith.cmpi slt, %add3A_94, %lt3A : i32
      %and3A = arith.andi %ge3A_92, %lt3A_95 : i1
      %convert_element_type3A_96 = arith.extui %and3A : i1 to i32
      %cond3A_97 = arith.constant 0 : i32
      %cond3A_98 = arith.cmpi ne, %convert_element_type3A_96, %cond3A_97 : i32
      scf.if %cond3A_98 {
        %dma_wait3A_177 = arith.constant 0 : i32
        %dma_wait3A_178 = tpu.memref_slice %arg8[%sub3A_91, %dma_wait3A_177] : memref<80x125xi32, #tpu.memory_space<vmem>> -> memref<1x125xi32, #tpu.memory_space<vmem>>
        %dma_wait3A_179 = tpu.memref_squeeze %dma_wait3A_178 : memref<1x125xi32, #tpu.memory_space<vmem>> -> memref<125xi32, #tpu.memory_space<vmem>>
        %dma_wait3A_180 = arith.constant 0 : i32
        %dma_wait3A_181 = arith.constant 0 : i32
        %dma_wait3A_182 = tpu.memref_slice %arg13[%dma_wait3A_180, %dma_wait3A_181] : memref<10000x128xbf16, #tpu.memory_space<vmem_shared>> -> memref<10000x128xbf16, #tpu.memory_space<vmem_shared>>
        tpu.wait_indirect_dma semaphore(%arg20 : memref<!tpu.dma_semaphore, #tpu.memory_space<semaphore_mem>>) src(%arg11 : memref<125x128xbf16, #tpu.memory_space<vmem>>) dst(%dma_wait3A_182 : memref<10000x128xbf16, #tpu.memory_space<vmem_shared>>)
        %add3A_183 = arith.constant 4 : i32
        %add3A_184 = arith.addi %sub3A_91, %add3A_183 : i32
        %dma_start3A_185 = arith.constant 0 : i32
        %dma_start3A_186 = tpu.memref_slice %arg7[%add3A_184, %dma_start3A_185] : memref<80x125xi32, #tpu.memory_space<vmem>> -> memref<1x125xi32, #tpu.memory_space<vmem>>
        %dma_start3A_187 = tpu.memref_squeeze %dma_start3A_186 : memref<1x125xi32, #tpu.memory_space<vmem>> -> memref<125xi32, #tpu.memory_space<vmem>>
        %dma_start3A_188 = arith.constant 0 : i32
        %dma_start3A_189 = arith.constant 0 : i32
        %dma_start3A_190 = tpu.memref_slice %arg2[%dma_start3A_188, %dma_start3A_189] : memref<10000x128xbf16, #tpu.memory_space<hbm>> -> memref<10000x128xbf16, #tpu.memory_space<hbm>>
        tpu.enqueue_indirect_dma source(%dma_start3A_190 : memref<10000x128xbf16, #tpu.memory_space<hbm>>) target(%arg11 : memref<125x128xbf16, #tpu.memory_space<vmem>>) offsets(%dma_start3A_187 : memref<125xi32, #tpu.memory_space<vmem>>) semaphore(%arg16 : memref<!tpu.dma_semaphore, #tpu.memory_space<semaphore_mem>>)
      } else {
      }
      %add3A_99 = arith.constant 1 : i32
      %add3A_100 = arith.addi %add3A_76, %add3A_99 : i32
      %dma_wait3A_101 = arith.constant 0 : i32
      %dma_wait3A_102 = tpu.memref_slice %arg7[%add3A_100, %dma_wait3A_101] : memref<80x125xi32, #tpu.memory_space<vmem>> -> memref<1x125xi32, #tpu.memory_space<vmem>>
      %dma_wait3A_103 = tpu.memref_squeeze %dma_wait3A_102 : memref<1x125xi32, #tpu.memory_space<vmem>> -> memref<125xi32, #tpu.memory_space<vmem>>
      %dma_wait3A_104 = arith.constant 0 : i32
      %dma_wait3A_105 = arith.constant 0 : i32
      %dma_wait3A_106 = tpu.memref_slice %arg2[%dma_wait3A_104, %dma_wait3A_105] : memref<10000x128xbf16, #tpu.memory_space<hbm>> -> memref<10000x128xbf16, #tpu.memory_space<hbm>>
      tpu.wait_indirect_dma semaphore(%arg15 : memref<!tpu.dma_semaphore, #tpu.memory_space<semaphore_mem>>) src(%dma_wait3A_106 : memref<10000x128xbf16, #tpu.memory_space<hbm>>) dst(%arg10 : memref<125x128xbf16, #tpu.memory_space<vmem>>)
      %dma_start3A_107 = arith.constant 0 : i32
      %dma_start3A_108 = tpu.memref_slice %arg8[%add3A_100, %dma_start3A_107] : memref<80x125xi32, #tpu.memory_space<vmem>> -> memref<1x125xi32, #tpu.memory_space<vmem>>
      %dma_start3A_109 = tpu.memref_squeeze %dma_start3A_108 : memref<1x125xi32, #tpu.memory_space<vmem>> -> memref<125xi32, #tpu.memory_space<vmem>>
      %dma_start3A_110 = arith.constant 0 : i32
      %dma_start3A_111 = arith.constant 0 : i32
      %dma_start3A_112 = tpu.memref_slice %arg13[%dma_start3A_110, %dma_start3A_111] : memref<10000x128xbf16, #tpu.memory_space<vmem_shared>> -> memref<10000x128xbf16, #tpu.memory_space<vmem_shared>>
      tpu.enqueue_indirect_dma source(%arg10 : memref<125x128xbf16, #tpu.memory_space<vmem>>) target(%dma_start3A_112 : memref<10000x128xbf16, #tpu.memory_space<vmem_shared>>) offsets(%dma_start3A_109 : memref<125xi32, #tpu.memory_space<vmem>>) semaphore(%arg19 : memref<!tpu.dma_semaphore, #tpu.memory_space<semaphore_mem>>) {add = true}
      %sub3A_113 = arith.constant 2 : i32
      %sub3A_114 = arith.subi %add3A_100, %sub3A_113 : i32
      %ge3A_115 = arith.constant 0 : i32
      %ge3A_116 = arith.cmpi sge, %sub3A_114, %ge3A_115 : i32
      %add3A_117 = arith.constant 4 : i32
      %add3A_118 = arith.addi %sub3A_114, %add3A_117 : i32
      %lt3A_119 = arith.constant 80 : i32
      %lt3A_120 = arith.cmpi slt, %add3A_118, %lt3A_119 : i32
      %and3A_121 = arith.andi %ge3A_116, %lt3A_120 : i1
      %convert_element_type3A_122 = arith.extui %and3A_121 : i1 to i32
      %cond3A_123 = arith.constant 0 : i32
      %cond3A_124 = arith.cmpi ne, %convert_element_type3A_122, %cond3A_123 : i32
      scf.if %cond3A_124 {
        %dma_wait3A_177 = arith.constant 0 : i32
        %dma_wait3A_178 = tpu.memref_slice %arg8[%sub3A_114, %dma_wait3A_177] : memref<80x125xi32, #tpu.memory_space<vmem>> -> memref<1x125xi32, #tpu.memory_space<vmem>>
        %dma_wait3A_179 = tpu.memref_squeeze %dma_wait3A_178 : memref<1x125xi32, #tpu.memory_space<vmem>> -> memref<125xi32, #tpu.memory_space<vmem>>
        %dma_wait3A_180 = arith.constant 0 : i32
        %dma_wait3A_181 = arith.constant 0 : i32
        %dma_wait3A_182 = tpu.memref_slice %arg13[%dma_wait3A_180, %dma_wait3A_181] : memref<10000x128xbf16, #tpu.memory_space<vmem_shared>> -> memref<10000x128xbf16, #tpu.memory_space<vmem_shared>>
        tpu.wait_indirect_dma semaphore(%arg21 : memref<!tpu.dma_semaphore, #tpu.memory_space<semaphore_mem>>) src(%arg12 : memref<125x128xbf16, #tpu.memory_space<vmem>>) dst(%dma_wait3A_182 : memref<10000x128xbf16, #tpu.memory_space<vmem_shared>>)
        %add3A_183 = arith.constant 4 : i32
        %add3A_184 = arith.addi %sub3A_114, %add3A_183 : i32
        %dma_start3A_185 = arith.constant 0 : i32
        %dma_start3A_186 = tpu.memref_slice %arg7[%add3A_184, %dma_start3A_185] : memref<80x125xi32, #tpu.memory_space<vmem>> -> memref<1x125xi32, #tpu.memory_space<vmem>>
        %dma_start3A_187 = tpu.memref_squeeze %dma_start3A_186 : memref<1x125xi32, #tpu.memory_space<vmem>> -> memref<125xi32, #tpu.memory_space<vmem>>
        %dma_start3A_188 = arith.constant 0 : i32
        %dma_start3A_189 = arith.constant 0 : i32
        %dma_start3A_190 = tpu.memref_slice %arg2[%dma_start3A_188, %dma_start3A_189] : memref<10000x128xbf16, #tpu.memory_space<hbm>> -> memref<10000x128xbf16, #tpu.memory_space<hbm>>
        tpu.enqueue_indirect_dma source(%dma_start3A_190 : memref<10000x128xbf16, #tpu.memory_space<hbm>>) target(%arg12 : memref<125x128xbf16, #tpu.memory_space<vmem>>) offsets(%dma_start3A_187 : memref<125xi32, #tpu.memory_space<vmem>>) semaphore(%arg17 : memref<!tpu.dma_semaphore, #tpu.memory_space<semaphore_mem>>)
      } else {
      }
      %add3A_125 = arith.constant 2 : i32
      %add3A_126 = arith.addi %add3A_76, %add3A_125 : i32
      %dma_wait3A_127 = arith.constant 0 : i32
      %dma_wait3A_128 = tpu.memref_slice %arg7[%add3A_126, %dma_wait3A_127] : memref<80x125xi32, #tpu.memory_space<vmem>> -> memref<1x125xi32, #tpu.memory_space<vmem>>
      %dma_wait3A_129 = tpu.memref_squeeze %dma_wait3A_128 : memref<1x125xi32, #tpu.memory_space<vmem>> -> memref<125xi32, #tpu.memory_space<vmem>>
      %dma_wait3A_130 = arith.constant 0 : i32
      %dma_wait3A_131 = arith.constant 0 : i32
      %dma_wait3A_132 = tpu.memref_slice %arg2[%dma_wait3A_130, %dma_wait3A_131] : memref<10000x128xbf16, #tpu.memory_space<hbm>> -> memref<10000x128xbf16, #tpu.memory_space<hbm>>
      tpu.wait_indirect_dma semaphore(%arg16 : memref<!tpu.dma_semaphore, #tpu.memory_space<semaphore_mem>>) src(%dma_wait3A_132 : memref<10000x128xbf16, #tpu.memory_space<hbm>>) dst(%arg11 : memref<125x128xbf16, #tpu.memory_space<vmem>>)
      %dma_start3A_133 = arith.constant 0 : i32
      %dma_start3A_134 = tpu.memref_slice %arg8[%add3A_126, %dma_start3A_133] : memref<80x125xi32, #tpu.memory_space<vmem>> -> memref<1x125xi32, #tpu.memory_space<vmem>>
      %dma_start3A_135 = tpu.memref_squeeze %dma_start3A_134 : memref<1x125xi32, #tpu.memory_space<vmem>> -> memref<125xi32, #tpu.memory_space<vmem>>
      %dma_start3A_136 = arith.constant 0 : i32
      %dma_start3A_137 = arith.constant 0 : i32
      %dma_start3A_138 = tpu.memref_slice %arg13[%dma_start3A_136, %dma_start3A_137] : memref<10000x128xbf16, #tpu.memory_space<vmem_shared>> -> memref<10000x128xbf16, #tpu.memory_space<vmem_shared>>
      tpu.enqueue_indirect_dma source(%arg11 : memref<125x128xbf16, #tpu.memory_space<vmem>>) target(%dma_start3A_138 : memref<10000x128xbf16, #tpu.memory_space<vmem_shared>>) offsets(%dma_start3A_135 : memref<125xi32, #tpu.memory_space<vmem>>) semaphore(%arg20 : memref<!tpu.dma_semaphore, #tpu.memory_space<semaphore_mem>>) {add = true}
      %sub3A_139 = arith.constant 2 : i32
      %sub3A_140 = arith.subi %add3A_126, %sub3A_139 : i32
      %ge3A_141 = arith.constant 0 : i32
      %ge3A_142 = arith.cmpi sge, %sub3A_140, %ge3A_141 : i32
      %add3A_143 = arith.constant 4 : i32
      %add3A_144 = arith.addi %sub3A_140, %add3A_143 : i32
      %lt3A_145 = arith.constant 80 : i32
      %lt3A_146 = arith.cmpi slt, %add3A_144, %lt3A_145 : i32
      %and3A_147 = arith.andi %ge3A_142, %lt3A_146 : i1
      %convert_element_type3A_148 = arith.extui %and3A_147 : i1 to i32
      %cond3A_149 = arith.constant 0 : i32
      %cond3A_150 = arith.cmpi ne, %convert_element_type3A_148, %cond3A_149 : i32
      scf.if %cond3A_150 {
        %dma_wait3A_177 = arith.constant 0 : i32
        %dma_wait3A_178 = tpu.memref_slice %arg8[%sub3A_140, %dma_wait3A_177] : memref<80x125xi32, #tpu.memory_space<vmem>> -> memref<1x125xi32, #tpu.memory_space<vmem>>
        %dma_wait3A_179 = tpu.memref_squeeze %dma_wait3A_178 : memref<1x125xi32, #tpu.memory_space<vmem>> -> memref<125xi32, #tpu.memory_space<vmem>>
        %dma_wait3A_180 = arith.constant 0 : i32
        %dma_wait3A_181 = arith.constant 0 : i32
        %dma_wait3A_182 = tpu.memref_slice %arg13[%dma_wait3A_180, %dma_wait3A_181] : memref<10000x128xbf16, #tpu.memory_space<vmem_shared>> -> memref<10000x128xbf16, #tpu.memory_space<vmem_shared>>
        tpu.wait_indirect_dma semaphore(%arg18 : memref<!tpu.dma_semaphore, #tpu.memory_space<semaphore_mem>>) src(%arg9 : memref<125x128xbf16, #tpu.memory_space<vmem>>) dst(%dma_wait3A_182 : memref<10000x128xbf16, #tpu.memory_space<vmem_shared>>)
        %add3A_183 = arith.constant 4 : i32
        %add3A_184 = arith.addi %sub3A_140, %add3A_183 : i32
        %dma_start3A_185 = arith.constant 0 : i32
        %dma_start3A_186 = tpu.memref_slice %arg7[%add3A_184, %dma_start3A_185] : memref<80x125xi32, #tpu.memory_space<vmem>> -> memref<1x125xi32, #tpu.memory_space<vmem>>
        %dma_start3A_187 = tpu.memref_squeeze %dma_start3A_186 : memref<1x125xi32, #tpu.memory_space<vmem>> -> memref<125xi32, #tpu.memory_space<vmem>>
        %dma_start3A_188 = arith.constant 0 : i32
        %dma_start3A_189 = arith.constant 0 : i32
        %dma_start3A_190 = tpu.memref_slice %arg2[%dma_start3A_188, %dma_start3A_189] : memref<10000x128xbf16, #tpu.memory_space<hbm>> -> memref<10000x128xbf16, #tpu.memory_space<hbm>>
        tpu.enqueue_indirect_dma source(%dma_start3A_190 : memref<10000x128xbf16, #tpu.memory_space<hbm>>) target(%arg9 : memref<125x128xbf16, #tpu.memory_space<vmem>>) offsets(%dma_start3A_187 : memref<125xi32, #tpu.memory_space<vmem>>) semaphore(%arg14 : memref<!tpu.dma_semaphore, #tpu.memory_space<semaphore_mem>>)
      } else {
      }
      %add3A_151 = arith.constant 3 : i32
      %add3A_152 = arith.addi %add3A_76, %add3A_151 : i32
      %dma_wait3A_153 = arith.constant 0 : i32
      %dma_wait3A_154 = tpu.memref_slice %arg7[%add3A_152, %dma_wait3A_153] : memref<80x125xi32, #tpu.memory_space<vmem>> -> memref<1x125xi32, #tpu.memory_space<vmem>>
      %dma_wait3A_155 = tpu.memref_squeeze %dma_wait3A_154 : memref<1x125xi32, #tpu.memory_space<vmem>> -> memref<125xi32, #tpu.memory_space<vmem>>
      %dma_wait3A_156 = arith.constant 0 : i32
      %dma_wait3A_157 = arith.constant 0 : i32
      %dma_wait3A_158 = tpu.memref_slice %arg2[%dma_wait3A_156, %dma_wait3A_157] : memref<10000x128xbf16, #tpu.memory_space<hbm>> -> memref<10000x128xbf16, #tpu.memory_space<hbm>>
      tpu.wait_indirect_dma semaphore(%arg17 : memref<!tpu.dma_semaphore, #tpu.memory_space<semaphore_mem>>) src(%dma_wait3A_158 : memref<10000x128xbf16, #tpu.memory_space<hbm>>) dst(%arg12 : memref<125x128xbf16, #tpu.memory_space<vmem>>)
      %dma_start3A_159 = arith.constant 0 : i32
      %dma_start3A_160 = tpu.memref_slice %arg8[%add3A_152, %dma_start3A_159] : memref<80x125xi32, #tpu.memory_space<vmem>> -> memref<1x125xi32, #tpu.memory_space<vmem>>
      %dma_start3A_161 = tpu.memref_squeeze %dma_start3A_160 : memref<1x125xi32, #tpu.memory_space<vmem>> -> memref<125xi32, #tpu.memory_space<vmem>>
      %dma_start3A_162 = arith.constant 0 : i32
      %dma_start3A_163 = arith.constant 0 : i32
      %dma_start3A_164 = tpu.memref_slice %arg13[%dma_start3A_162, %dma_start3A_163] : memref<10000x128xbf16, #tpu.memory_space<vmem_shared>> -> memref<10000x128xbf16, #tpu.memory_space<vmem_shared>>
      tpu.enqueue_indirect_dma source(%arg12 : memref<125x128xbf16, #tpu.memory_space<vmem>>) target(%dma_start3A_164 : memref<10000x128xbf16, #tpu.memory_space<vmem_shared>>) offsets(%dma_start3A_161 : memref<125xi32, #tpu.memory_space<vmem>>) semaphore(%arg21 : memref<!tpu.dma_semaphore, #tpu.memory_space<semaphore_mem>>) {add = true}
      %sub3A_165 = arith.constant 2 : i32
      %sub3A_166 = arith.subi %add3A_152, %sub3A_165 : i32
      %ge3A_167 = arith.constant 0 : i32
      %ge3A_168 = arith.cmpi sge, %sub3A_166, %ge3A_167 : i32
      %add3A_169 = arith.constant 4 : i32
      %add3A_170 = arith.addi %sub3A_166, %add3A_169 : i32
      %lt3A_171 = arith.constant 80 : i32
      %lt3A_172 = arith.cmpi slt, %add3A_170, %lt3A_171 : i32
      %and3A_173 = arith.andi %ge3A_168, %lt3A_172 : i1
      %convert_element_type3A_174 = arith.extui %and3A_173 : i1 to i32
      %cond3A_175 = arith.constant 0 : i32
      %cond3A_176 = arith.cmpi ne, %convert_element_type3A_174, %cond3A_175 : i32
      scf.if %cond3A_176 {
        %dma_wait3A_177 = arith.constant 0 : i32
        %dma_wait3A_178 = tpu.memref_slice %arg8[%sub3A_166, %dma_wait3A_177] : memref<80x125xi32, #tpu.memory_space<vmem>> -> memref<1x125xi32, #tpu.memory_space<vmem>>
        %dma_wait3A_179 = tpu.memref_squeeze %dma_wait3A_178 : memref<1x125xi32, #tpu.memory_space<vmem>> -> memref<125xi32, #tpu.memory_space<vmem>>
        %dma_wait3A_180 = arith.constant 0 : i32
        %dma_wait3A_181 = arith.constant 0 : i32
        %dma_wait3A_182 = tpu.memref_slice %arg13[%dma_wait3A_180, %dma_wait3A_181] : memref<10000x128xbf16, #tpu.memory_space<vmem_shared>> -> memref<10000x128xbf16, #tpu.memory_space<vmem_shared>>
        tpu.wait_indirect_dma semaphore(%arg19 : memref<!tpu.dma_semaphore, #tpu.memory_space<semaphore_mem>>) src(%arg10 : memref<125x128xbf16, #tpu.memory_space<vmem>>) dst(%dma_wait3A_182 : memref<10000x128xbf16, #tpu.memory_space<vmem_shared>>)
        %add3A_183 = arith.constant 4 : i32
        %add3A_184 = arith.addi %sub3A_166, %add3A_183 : i32
        %dma_start3A_185 = arith.constant 0 : i32
        %dma_start3A_186 = tpu.memref_slice %arg7[%add3A_184, %dma_start3A_185] : memref<80x125xi32, #tpu.memory_space<vmem>> -> memref<1x125xi32, #tpu.memory_space<vmem>>
        %dma_start3A_187 = tpu.memref_squeeze %dma_start3A_186 : memref<1x125xi32, #tpu.memory_space<vmem>> -> memref<125xi32, #tpu.memory_space<vmem>>
        %dma_start3A_188 = arith.constant 0 : i32
        %dma_start3A_189 = arith.constant 0 : i32
        %dma_start3A_190 = tpu.memref_slice %arg2[%dma_start3A_188, %dma_start3A_189] : memref<10000x128xbf16, #tpu.memory_space<hbm>> -> memref<10000x128xbf16, #tpu.memory_space<hbm>>
        tpu.enqueue_indirect_dma source(%dma_start3A_190 : memref<10000x128xbf16, #tpu.memory_space<hbm>>) target(%arg10 : memref<125x128xbf16, #tpu.memory_space<vmem>>) offsets(%dma_start3A_187 : memref<125xi32, #tpu.memory_space<vmem>>) semaphore(%arg15 : memref<!tpu.dma_semaphore, #tpu.memory_space<semaphore_mem>>)
      } else {
      }
    }
    %scan3A_36 = arith.constant 20 : i32
    %dma_wait3A = arith.constant 76 : i32
    %dma_wait3A_37 = arith.constant 0 : i32
    %dma_wait3A_38 = tpu.memref_slice %arg8[%dma_wait3A, %dma_wait3A_37] : memref<80x125xi32, #tpu.memory_space<vmem>> -> memref<1x125xi32, #tpu.memory_space<vmem>>
    %dma_wait3A_39 = tpu.memref_squeeze %dma_wait3A_38 : memref<1x125xi32, #tpu.memory_space<vmem>> -> memref<125xi32, #tpu.memory_space<vmem>>
    %dma_wait3A_40 = arith.constant 0 : i32
    %dma_wait3A_41 = arith.constant 0 : i32
    %dma_wait3A_42 = tpu.memref_slice %arg13[%dma_wait3A_40, %dma_wait3A_41] : memref<10000x128xbf16, #tpu.memory_space<vmem_shared>> -> memref<10000x128xbf16, #tpu.memory_space<vmem_shared>>
    tpu.wait_indirect_dma semaphore(%arg18 : memref<!tpu.dma_semaphore, #tpu.memory_space<semaphore_mem>>) src(%arg9 : memref<125x128xbf16, #tpu.memory_space<vmem>>) dst(%dma_wait3A_42 : memref<10000x128xbf16, #tpu.memory_space<vmem_shared>>)
    %dma_wait3A_43 = arith.constant 77 : i32
    %dma_wait3A_44 = arith.constant 0 : i32
    %dma_wait3A_45 = tpu.memref_slice %arg8[%dma_wait3A_43, %dma_wait3A_44] : memref<80x125xi32, #tpu.memory_space<vmem>> -> memref<1x125xi32, #tpu.memory_space<vmem>>
    %dma_wait3A_46 = tpu.memref_squeeze %dma_wait3A_45 : memref<1x125xi32, #tpu.memory_space<vmem>> -> memref<125xi32, #tpu.memory_space<vmem>>
    %dma_wait3A_47 = arith.constant 0 : i32
    %dma_wait3A_48 = arith.constant 0 : i32
    %dma_wait3A_49 = tpu.memref_slice %arg13[%dma_wait3A_47, %dma_wait3A_48] : memref<10000x128xbf16, #tpu.memory_space<vmem_shared>> -> memref<10000x128xbf16, #tpu.memory_space<vmem_shared>>
    tpu.wait_indirect_dma semaphore(%arg19 : memref<!tpu.dma_semaphore, #tpu.memory_space<semaphore_mem>>) src(%arg10 : memref<125x128xbf16, #tpu.memory_space<vmem>>) dst(%dma_wait3A_49 : memref<10000x128xbf16, #tpu.memory_space<vmem_shared>>)
    %dma_wait3A_50 = arith.constant 78 : i32
    %dma_wait3A_51 = arith.constant 0 : i32
    %dma_wait3A_52 = tpu.memref_slice %arg8[%dma_wait3A_50, %dma_wait3A_51] : memref<80x125xi32, #tpu.memory_space<vmem>> -> memref<1x125xi32, #tpu.memory_space<vmem>>
    %dma_wait3A_53 = tpu.memref_squeeze %dma_wait3A_52 : memref<1x125xi32, #tpu.memory_space<vmem>> -> memref<125xi32, #tpu.memory_space<vmem>>
    %dma_wait3A_54 = arith.constant 0 : i32
    %dma_wait3A_55 = arith.constant 0 : i32
    %dma_wait3A_56 = tpu.memref_slice %arg13[%dma_wait3A_54, %dma_wait3A_55] : memref<10000x128xbf16, #tpu.memory_space<vmem_shared>> -> memref<10000x128xbf16, #tpu.memory_space<vmem_shared>>
    tpu.wait_indirect_dma semaphore(%arg20 : memref<!tpu.dma_semaphore, #tpu.memory_space<semaphore_mem>>) src(%arg11 : memref<125x128xbf16, #tpu.memory_space<vmem>>) dst(%dma_wait3A_56 : memref<10000x128xbf16, #tpu.memory_space<vmem_shared>>)
    %dma_wait3A_57 = arith.constant 79 : i32
    %dma_wait3A_58 = arith.constant 0 : i32
    %dma_wait3A_59 = tpu.memref_slice %arg8[%dma_wait3A_57, %dma_wait3A_58] : memref<80x125xi32, #tpu.memory_space<vmem>> -> memref<1x125xi32, #tpu.memory_space<vmem>>
    %dma_wait3A_60 = tpu.memref_squeeze %dma_wait3A_59 : memref<1x125xi32, #tpu.memory_space<vmem>> -> memref<125xi32, #tpu.memory_space<vmem>>
    %dma_wait3A_61 = arith.constant 0 : i32
    %dma_wait3A_62 = arith.constant 0 : i32
    %dma_wait3A_63 = tpu.memref_slice %arg13[%dma_wait3A_61, %dma_wait3A_62] : memref<10000x128xbf16, #tpu.memory_space<vmem_shared>> -> memref<10000x128xbf16, #tpu.memory_space<vmem_shared>>
    tpu.wait_indirect_dma semaphore(%arg21 : memref<!tpu.dma_semaphore, #tpu.memory_space<semaphore_mem>>) src(%arg12 : memref<125x128xbf16, #tpu.memory_space<vmem>>) dst(%dma_wait3A_63 : memref<10000x128xbf16, #tpu.memory_space<vmem_shared>>)
    %barrier3A_64 = arith.constant 0 : index
    tpu.barrier barrier_id(%barrier3A_64)
    %eq3A = arith.constant 0 : i32
    %eq3A_65 = arith.cmpi eq, %arg0, %eq3A : i32
    %convert_element_type3A = arith.extui %eq3A_65 : i1 to i32
    %cond3A = arith.constant 0 : i32
    %cond3A_66 = arith.cmpi ne, %convert_element_type3A, %cond3A : i32
    scf.if %cond3A_66 {
      "tpu.region"() ({
        %run_scoped3A_72 = tpu.sem_alloc : memref<!tpu.dma_semaphore, #tpu.memory_space<semaphore_mem>>
        %dma_start3A_73 = arith.constant 0 : i32
        %dma_start3A_74 = tpu.memref_slice %arg5[%mul3A_4, %dma_start3A_73] : memref<10000x128xbf16, #tpu.memory_space<hbm>> -> memref<625x128xbf16, #tpu.memory_space<hbm>>
        %dma_start3A_75 = arith.constant 0 : i32
        %dma_start3A_76 = tpu.memref_slice %arg13[%mul3A_4, %dma_start3A_75] : memref<10000x128xbf16, #tpu.memory_space<vmem_shared>> -> memref<625x128xbf16, #tpu.memory_space<vmem_shared>>
        tpu.enqueue_dma source(%dma_start3A_76 : memref<625x128xbf16, #tpu.memory_space<vmem_shared>>) target(%dma_start3A_74 : memref<625x128xbf16, #tpu.memory_space<hbm>>) target_semaphore(%run_scoped3A_72 : memref<!tpu.dma_semaphore, #tpu.memory_space<semaphore_mem>>)
        %dma_wait3A_77 = arith.constant 0 : i32
        %dma_wait3A_78 = tpu.memref_slice %arg5[%mul3A_4, %dma_wait3A_77] : memref<10000x128xbf16, #tpu.memory_space<hbm>> -> memref<625x128xbf16, #tpu.memory_space<hbm>>
        %dma_wait3A_79 = arith.constant 0 : i32
        %dma_wait3A_80 = tpu.memref_slice %arg13[%mul3A_4, %dma_wait3A_79] : memref<10000x128xbf16, #tpu.memory_space<vmem_shared>> -> memref<625x128xbf16, #tpu.memory_space<vmem_shared>>
        tpu.wait_dma2 semaphore(%run_scoped3A_72 : memref<!tpu.dma_semaphore, #tpu.memory_space<semaphore_mem>>) src(%dma_wait3A_80 : memref<625x128xbf16, #tpu.memory_space<vmem_shared>>) dst(%dma_wait3A_78 : memref<625x128xbf16, #tpu.memory_space<hbm>>)
        tpu.yield
      }) : () -> ()
    } else {
    }
    %eq3A_67 = arith.constant 1 : i32
    %eq3A_68 = arith.cmpi eq, %arg0, %eq3A_67 : i32
    %convert_element_type3A_69 = arith.extui %eq3A_68 : i1 to i32
    %cond3A_70 = arith.constant 0 : i32
    %cond3A_71 = arith.cmpi ne, %convert_element_type3A_69, %cond3A_70 : i32
    scf.if %cond3A_71 {
      "tpu.region"() ({
        %run_scoped3A_72 = tpu.sem_alloc : memref<!tpu.dma_semaphore, #tpu.memory_space<semaphore_mem>>
        %dma_start3A_73 = arith.constant 0 : i32
        %dma_start3A_74 = tpu.memref_slice %arg6[%mul3A_4, %dma_start3A_73] : memref<10000x128xbf16, #tpu.memory_space<hbm>> -> memref<625x128xbf16, #tpu.memory_space<hbm>>
        %dma_start3A_75 = arith.constant 0 : i32
        %dma_start3A_76 = tpu.memref_slice %arg13[%mul3A_4, %dma_start3A_75] : memref<10000x128xbf16, #tpu.memory_space<vmem_shared>> -> memref<625x128xbf16, #tpu.memory_space<vmem_shared>>
        tpu.enqueue_dma source(%dma_start3A_76 : memref<625x128xbf16, #tpu.memory_space<vmem_shared>>) target(%dma_start3A_74 : memref<625x128xbf16, #tpu.memory_space<hbm>>) target_semaphore(%run_scoped3A_72 : memref<!tpu.dma_semaphore, #tpu.memory_space<semaphore_mem>>)
        %dma_wait3A_77 = arith.constant 0 : i32
        %dma_wait3A_78 = tpu.memref_slice %arg6[%mul3A_4, %dma_wait3A_77] : memref<10000x128xbf16, #tpu.memory_space<hbm>> -> memref<625x128xbf16, #tpu.memory_space<hbm>>
        %dma_wait3A_79 = arith.constant 0 : i32
        %dma_wait3A_80 = tpu.memref_slice %arg13[%mul3A_4, %dma_wait3A_79] : memref<10000x128xbf16, #tpu.memory_space<vmem_shared>> -> memref<625x128xbf16, #tpu.memory_space<vmem_shared>>
        tpu.wait_dma2 semaphore(%run_scoped3A_72 : memref<!tpu.dma_semaphore, #tpu.memory_space<semaphore_mem>>) src(%dma_wait3A_80 : memref<625x128xbf16, #tpu.memory_space<vmem_shared>>) dst(%dma_wait3A_78 : memref<625x128xbf16, #tpu.memory_space<hbm>>)
        tpu.yield
      }) : () -> ()
    } else {
    }
    return
  }
}

#map = affine_map<(d0, d1) -> (0, 0)>
#map1 = affine_map<(d0, d1) -> (0, 0, 0)>
module attributes {stable_mosaic.version = 14 : i64} {
  func.func @agg(%arg0: i32, %arg1: i32, %arg2: memref<10000x128xbf16, #tpu.memory_space<hbm>>, %arg3: memref<2x2560x125xi32, #tpu.memory_space<hbm>>, %arg4: memref<625x128xbf16, #tpu.memory_space<hbm>>, %arg5: memref<10000x128xbf16, #tpu.memory_space<hbm>>, %arg6: memref<10000x128xbf16, #tpu.memory_space<hbm>>, %arg7: memref<80x125xi32, #tpu.memory_space<vmem>>, %arg8: memref<80x125xi32, #tpu.memory_space<vmem>>, %arg9: memref<125x128xbf16, #tpu.memory_space<vmem>>, %arg10: memref<125x128xbf16, #tpu.memory_space<vmem>>, %arg11: memref<125x128xbf16, #tpu.memory_space<vmem>>, %arg12: memref<125x128xbf16, #tpu.memory_space<vmem>>, %arg13: memref<10000x128xbf16, #tpu.memory_space<vmem_shared>>, %arg14: memref<!tpu.dma_semaphore, #tpu.memory_space<semaphore_mem>>, %arg15: memref<!tpu.dma_semaphore, #tpu.memory_space<semaphore_mem>>, %arg16: memref<!tpu.dma_semaphore, #tpu.memory_space<semaphore_mem>>, %arg17: memref<!tpu.dma_semaphore, #tpu.memory_space<semaphore_mem>>, %arg18: memref<!tpu.dma_semaphore, #tpu.memory_space<semaphore_mem>>, %arg19: memref<!tpu.dma_semaphore, #tpu.memory_space<semaphore_mem>>, %arg20: memref<!tpu.dma_semaphore, #tpu.memory_space<semaphore_mem>>, %arg21: memref<!tpu.dma_semaphore, #tpu.memory_space<semaphore_mem>>) attributes {dimension_semantics = [#tpu.dimension_semantics<core_parallel>, #tpu.dimension_semantics<subcore_parallel>], iteration_bounds = array<i64: 2, 16>, scalar_prefetch = 0 : i64, scratch_operands = 15 : i64, tpu.core_type = #tpu.core_type<sc_vector_subcore>, window_params = [{transform_indices = #map}, {transform_indices = #map1}, {transform_indices = #map}, {transform_indices = #map}, {transform_indices = #map}]} {
    %mul3A = arith.constant 16 : i32
    %mul3A_0 = arith.muli %arg0, %mul3A : i32
    %add3A = arith.addi %mul3A_0, %arg1 : i32
    %mul3A_1 = arith.constant 80 : i32
    %mul3A_2 = arith.muli %add3A, %mul3A_1 : i32
    %mul3A_3 = arith.constant 625 : i32
    %mul3A_4 = arith.muli %arg1, %mul3A_3 : i32
    %run_scoped3A = arith.constant 0 : i32
    "tpu.region"() ({
      %run_scoped3A_72 = tpu.sem_alloc : memref<!tpu.dma_semaphore, #tpu.memory_space<semaphore_mem>>
      %dma_start3A_73 = arith.constant 0 : i32
      %dma_start3A_74 = tpu.memref_slice %arg3[%run_scoped3A, %mul3A_2, %dma_start3A_73] : memref<2x2560x125xi32, #tpu.memory_space<hbm>> -> memref<1x80x125xi32, #tpu.memory_space<hbm>>
      %dma_start3A_75 = tpu.memref_squeeze %dma_start3A_74 : memref<1x80x125xi32, #tpu.memory_space<hbm>> -> memref<80x125xi32, #tpu.memory_space<hbm>>
      %dma_start3A_76 = arith.constant 0 : i32
      %dma_start3A_77 = tpu.memref_slice %arg3[%run_scoped3A, %mul3A_2, %dma_start3A_76] : memref<2x2560x125xi32, #tpu.memory_space<hbm>> -> memref<1x80x125xi32, #tpu.memory_space<hbm>>
      %dma_start3A_78 = tpu.memref_squeeze %dma_start3A_77 : memref<1x80x125xi32, #tpu.memory_space<hbm>> -> memref<80x125xi32, #tpu.memory_space<hbm>>
      tpu.enqueue_dma source(%dma_start3A_78 : memref<80x125xi32, #tpu.memory_space<hbm>>) target(%arg7 : memref<80x125xi32, #tpu.memory_space<vmem>>) target_semaphore(%run_scoped3A_72 : memref<!tpu.dma_semaphore, #tpu.memory_space<semaphore_mem>>)
      %dma_wait3A_79 = arith.constant 0 : i32
      %dma_wait3A_80 = tpu.memref_slice %arg3[%run_scoped3A, %mul3A_2, %dma_wait3A_79] : memref<2x2560x125xi32, #tpu.memory_space<hbm>> -> memref<1x80x125xi32, #tpu.memory_space<hbm>>
      %dma_wait3A_81 = tpu.memref_squeeze %dma_wait3A_80 : memref<1x80x125xi32, #tpu.memory_space<hbm>> -> memref<80x125xi32, #tpu.memory_space<hbm>>
      %dma_wait3A_82 = arith.constant 0 : i32
      %dma_wait3A_83 = tpu.memref_slice %arg3[%run_scoped3A, %mul3A_2, %dma_wait3A_82] : memref<2x2560x125xi32, #tpu.memory_space<hbm>> -> memref<1x80x125xi32, #tpu.memory_space<hbm>>
      %dma_wait3A_84 = tpu.memref_squeeze %dma_wait3A_83 : memref<1x80x125xi32, #tpu.memory_space<hbm>> -> memref<80x125xi32, #tpu.memory_space<hbm>>
      tpu.wait_dma2 semaphore(%run_scoped3A_72 : memref<!tpu.dma_semaphore, #tpu.memory_space<semaphore_mem>>) src(%dma_wait3A_84 : memref<80x125xi32, #tpu.memory_space<hbm>>) dst(%arg7 : memref<80x125xi32, #tpu.memory_space<vmem>>)
      tpu.yield
    }) : () -> ()
    %run_scoped3A_5 = arith.constant 1 : i32
    "tpu.region"() ({
      %run_scoped3A_72 = tpu.sem_alloc : memref<!tpu.dma_semaphore, #tpu.memory_space<semaphore_mem>>
      %dma_start3A_73 = arith.constant 0 : i32
      %dma_start3A_74 = tpu.memref_slice %arg3[%run_scoped3A_5, %mul3A_2, %dma_start3A_73] : memref<2x2560x125xi32, #tpu.memory_space<hbm>> -> memref<1x80x125xi32, #tpu.memory_space<hbm>>
      %dma_start3A_75 = tpu.memref_squeeze %dma_start3A_74 : memref<1x80x125xi32, #tpu.memory_space<hbm>> -> memref<80x125xi32, #tpu.memory_space<hbm>>
      %dma_start3A_76 = arith.constant 0 : i32
      %dma_start3A_77 = tpu.memref_slice %arg3[%run_scoped3A_5, %mul3A_2, %dma_start3A_76] : memref<2x2560x125xi32, #tpu.memory_space<hbm>> -> memref<1x80x125xi32, #tpu.memory_space<hbm>>
      %dma_start3A_78 = tpu.memref_squeeze %dma_start3A_77 : memref<1x80x125xi32, #tpu.memory_space<hbm>> -> memref<80x125xi32, #tpu.memory_space<hbm>>
      tpu.enqueue_dma source(%dma_start3A_78 : memref<80x125xi32, #tpu.memory_space<hbm>>) target(%arg8 : memref<80x125xi32, #tpu.memory_space<vmem>>) target_semaphore(%run_scoped3A_72 : memref<!tpu.dma_semaphore, #tpu.memory_space<semaphore_mem>>)
      %dma_wait3A_79 = arith.constant 0 : i32
      %dma_wait3A_80 = tpu.memref_slice %arg3[%run_scoped3A_5, %mul3A_2, %dma_wait3A_79] : memref<2x2560x125xi32, #tpu.memory_space<hbm>> -> memref<1x80x125xi32, #tpu.memory_space<hbm>>
      %dma_wait3A_81 = tpu.memref_squeeze %dma_wait3A_80 : memref<1x80x125xi32, #tpu.memory_space<hbm>> -> memref<80x125xi32, #tpu.memory_space<hbm>>
      %dma_wait3A_82 = arith.constant 0 : i32
      %dma_wait3A_83 = tpu.memref_slice %arg3[%run_scoped3A_5, %mul3A_2, %dma_wait3A_82] : memref<2x2560x125xi32, #tpu.memory_space<hbm>> -> memref<1x80x125xi32, #tpu.memory_space<hbm>>
      %dma_wait3A_84 = tpu.memref_squeeze %dma_wait3A_83 : memref<1x80x125xi32, #tpu.memory_space<hbm>> -> memref<80x125xi32, #tpu.memory_space<hbm>>
      tpu.wait_dma2 semaphore(%run_scoped3A_72 : memref<!tpu.dma_semaphore, #tpu.memory_space<semaphore_mem>>) src(%dma_wait3A_84 : memref<80x125xi32, #tpu.memory_space<hbm>>) dst(%arg8 : memref<80x125xi32, #tpu.memory_space<vmem>>)
      tpu.yield
    }) : () -> ()
    "tpu.region"() ({
      %run_scoped3A_72 = tpu.sem_alloc : memref<!tpu.dma_semaphore, #tpu.memory_space<semaphore_mem>>
      %dma_start3A_73 = arith.constant 0 : i32
      %dma_start3A_74 = tpu.memref_slice %arg13[%mul3A_4, %dma_start3A_73] : memref<10000x128xbf16, #tpu.memory_space<vmem_shared>> -> memref<625x128xbf16, #tpu.memory_space<vmem_shared>>
      tpu.enqueue_dma source(%arg4 : memref<625x128xbf16, #tpu.memory_space<hbm>>) target(%dma_start3A_74 : memref<625x128xbf16, #tpu.memory_space<vmem_shared>>) target_semaphore(%run_scoped3A_72 : memref<!tpu.dma_semaphore, #tpu.memory_space<semaphore_mem>>)
      %dma_wait3A_75 = arith.constant 0 : i32
      %dma_wait3A_76 = tpu.memref_slice %arg13[%mul3A_4, %dma_wait3A_75] : memref<10000x128xbf16, #tpu.memory_space<vmem_shared>> -> memref<625x128xbf16, #tpu.memory_space<vmem_shared>>
      tpu.wait_dma2 semaphore(%run_scoped3A_72 : memref<!tpu.dma_semaphore, #tpu.memory_space<semaphore_mem>>) src(%arg4 : memref<625x128xbf16, #tpu.memory_space<hbm>>) dst(%dma_wait3A_76 : memref<625x128xbf16, #tpu.memory_space<vmem_shared>>)
      tpu.yield
    }) : () -> ()
    %barrier3A = arith.constant 0 : index
    tpu.barrier barrier_id(%barrier3A)
    %dma_start3A = arith.constant 0 : i32
    %dma_start3A_6 = arith.constant 0 : i32
    %dma_start3A_7 = tpu.memref_slice %arg7[%dma_start3A, %dma_start3A_6] : memref<80x125xi32, #tpu.memory_space<vmem>> -> memref<1x125xi32, #tpu.memory_space<vmem>>
    %dma_start3A_8 = tpu.memref_squeeze %dma_start3A_7 : memref<1x125xi32, #tpu.memory_space<vmem>> -> memref<125xi32, #tpu.memory_space<vmem>>
    %dma_start3A_9 = arith.constant 0 : i32
    %dma_start3A_10 = arith.constant 0 : i32
    %dma_start3A_11 = tpu.memref_slice %arg2[%dma_start3A_9, %dma_start3A_10] : memref<10000x128xbf16, #tpu.memory_space<hbm>> -> memref<10000x128xbf16, #tpu.memory_space<hbm>>
    tpu.enqueue_indirect_dma source(%dma_start3A_11 : memref<10000x128xbf16, #tpu.memory_space<hbm>>) target(%arg9 : memref<125x128xbf16, #tpu.memory_space<vmem>>) offsets(%dma_start3A_8 : memref<125xi32, #tpu.memory_space<vmem>>) semaphore(%arg14 : memref<!tpu.dma_semaphore, #tpu.memory_space<semaphore_mem>>)
    %dma_start3A_12 = arith.constant 1 : i32
    %dma_start3A_13 = arith.constant 0 : i32
    %dma_start3A_14 = tpu.memref_slice %arg7[%dma_start3A_12, %dma_start3A_13] : memref<80x125xi32, #tpu.memory_space<vmem>> -> memref<1x125xi32, #tpu.memory_space<vmem>>
    %dma_start3A_15 = tpu.memref_squeeze %dma_start3A_14 : memref<1x125xi32, #tpu.memory_space<vmem>> -> memref<125xi32, #tpu.memory_space<vmem>>
    %dma_start3A_16 = arith.constant 0 : i32
    %dma_start3A_17 = arith.constant 0 : i32
    %dma_start3A_18 = tpu.memref_slice %arg2[%dma_start3A_16, %dma_start3A_17] : memref<10000x128xbf16, #tpu.memory_space<hbm>> -> memref<10000x128xbf16, #tpu.memory_space<hbm>>
    tpu.enqueue_indirect_dma source(%dma_start3A_18 : memref<10000x128xbf16, #tpu.memory_space<hbm>>) target(%arg10 : memref<125x128xbf16, #tpu.memory_space<vmem>>) offsets(%dma_start3A_15 : memref<125xi32, #tpu.memory_space<vmem>>) semaphore(%arg15 : memref<!tpu.dma_semaphore, #tpu.memory_space<semaphore_mem>>)
    %dma_start3A_19 = arith.constant 2 : i32
    %dma_start3A_20 = arith.constant 0 : i32
    %dma_start3A_21 = tpu.memref_slice %arg7[%dma_start3A_19, %dma_start3A_20] : memref<80x125xi32, #tpu.memory_space<vmem>> -> memref<1x125xi32, #tpu.memory_space<vmem>>
    %dma_start3A_22 = tpu.memref_squeeze %dma_start3A_21 : memref<1x125xi32, #tpu.memory_space<vmem>> -> memref<125xi32, #tpu.memory_space<vmem>>
    %dma_start3A_23 = arith.constant 0 : i32
    %dma_start3A_24 = arith.constant 0 : i32
    %dma_start3A_25 = tpu.memref_slice %arg2[%dma_start3A_23, %dma_start3A_24] : memref<10000x128xbf16, #tpu.memory_space<hbm>> -> memref<10000x128xbf16, #tpu.memory_space<hbm>>
    tpu.enqueue_indirect_dma source(%dma_start3A_25 : memref<10000x128xbf16, #tpu.memory_space<hbm>>) target(%arg11 : memref<125x128xbf16, #tpu.memory_space<vmem>>) offsets(%dma_start3A_22 : memref<125xi32, #tpu.memory_space<vmem>>) semaphore(%arg16 : memref<!tpu.dma_semaphore, #tpu.memory_space<semaphore_mem>>)
    %dma_start3A_26 = arith.constant 3 : i32
    %dma_start3A_27 = arith.constant 0 : i32
    %dma_start3A_28 = tpu.memref_slice %arg7[%dma_start3A_26, %dma_start3A_27] : memref<80x125xi32, #tpu.memory_space<vmem>> -> memref<1x125xi32, #tpu.memory_space<vmem>>
    %dma_start3A_29 = tpu.memref_squeeze %dma_start3A_28 : memref<1x125xi32, #tpu.memory_space<vmem>> -> memref<125xi32, #tpu.memory_space<vmem>>
    %dma_start3A_30 = arith.constant 0 : i32
    %dma_start3A_31 = arith.constant 0 : i32
    %dma_start3A_32 = tpu.memref_slice %arg2[%dma_start3A_30, %dma_start3A_31] : memref<10000x128xbf16, #tpu.memory_space<hbm>> -> memref<10000x128xbf16, #tpu.memory_space<hbm>>
    tpu.enqueue_indirect_dma source(%dma_start3A_32 : memref<10000x128xbf16, #tpu.memory_space<hbm>>) target(%arg12 : memref<125x128xbf16, #tpu.memory_space<vmem>>) offsets(%dma_start3A_29 : memref<125xi32, #tpu.memory_space<vmem>>) semaphore(%arg17 : memref<!tpu.dma_semaphore, #tpu.memory_space<semaphore_mem>>)
    %scan3A = arith.constant 0 : i32
    %scan3A_33 = arith.constant 20 : i32
    %scan3A_34 = arith.addi %scan3A, %scan3A_33 : i32
    %scan3A_35 = arith.constant 1 : i32
    scf.for %scan3A_72 = %scan3A to %scan3A_34 step %scan3A_35  : i32 {
      %mul3A_73 = arith.constant 4 : i32
      %mul3A_74 = arith.muli %scan3A_72, %mul3A_73 : i32
      %add3A_75 = arith.constant 0 : i32
      %add3A_76 = arith.addi %add3A_75, %mul3A_74 : i32
      %add3A_77 = arith.constant 0 : i32
      %add3A_78 = arith.addi %add3A_76, %add3A_77 : i32
      %dma_wait3A_79 = arith.constant 0 : i32
      %dma_wait3A_80 = tpu.memref_slice %arg7[%add3A_78, %dma_wait3A_79] : memref<80x125xi32, #tpu.memory_space<vmem>> -> memref<1x125xi32, #tpu.memory_space<vmem>>
      %dma_wait3A_81 = tpu.memref_squeeze %dma_wait3A_80 : memref<1x125xi32, #tpu.memory_space<vmem>> -> memref<125xi32, #tpu.memory_space<vmem>>
      %dma_wait3A_82 = arith.constant 0 : i32
      %dma_wait3A_83 = arith.constant 0 : i32
      %dma_wait3A_84 = tpu.memref_slice %arg2[%dma_wait3A_82, %dma_wait3A_83] : memref<10000x128xbf16, #tpu.memory_space<hbm>> -> memref<10000x128xbf16, #tpu.memory_space<hbm>>
      tpu.wait_indirect_dma semaphore(%arg14 : memref<!tpu.dma_semaphore, #tpu.memory_space<semaphore_mem>>) src(%dma_wait3A_84 : memref<10000x128xbf16, #tpu.memory_space<hbm>>) dst(%arg9 : memref<125x128xbf16, #tpu.memory_space<vmem>>)
      %dma_start3A_85 = arith.constant 0 : i32
      %dma_start3A_86 = tpu.memref_slice %arg8[%add3A_78, %dma_start3A_85] : memref<80x125xi32, #tpu.memory_space<vmem>> -> memref<1x125xi32, #tpu.memory_space<vmem>>
      %dma_start3A_87 = tpu.memref_squeeze %dma_start3A_86 : memref<1x125xi32, #tpu.memory_space<vmem>> -> memref<125xi32, #tpu.memory_space<vmem>>
      %dma_start3A_88 = arith.constant 0 : i32
      %dma_start3A_89 = arith.constant 0 : i32
      %dma_start3A_90 = tpu.memref_slice %arg13[%dma_start3A_88, %dma_start3A_89] : memref<10000x128xbf16, #tpu.memory_space<vmem_shared>> -> memref<10000x128xbf16, #tpu.memory_space<vmem_shared>>
      tpu.enqueue_indirect_dma source(%arg9 : memref<125x128xbf16, #tpu.memory_space<vmem>>) target(%dma_start3A_90 : memref<10000x128xbf16, #tpu.memory_space<vmem_shared>>) offsets(%dma_start3A_87 : memref<125xi32, #tpu.memory_space<vmem>>) semaphore(%arg18 : memref<!tpu.dma_semaphore, #tpu.memory_space<semaphore_mem>>) {add = true}
      %sub3A = arith.constant 2 : i32
      %sub3A_91 = arith.subi %add3A_78, %sub3A : i32
      %ge3A = arith.constant 0 : i32
      %ge3A_92 = arith.cmpi sge, %sub3A_91, %ge3A : i32
      %add3A_93 = arith.constant 4 : i32
      %add3A_94 = arith.addi %sub3A_91, %add3A_93 : i32
      %lt3A = arith.constant 80 : i32
      %lt3A_95 = arith.cmpi slt, %add3A_94, %lt3A : i32
      %and3A = arith.andi %ge3A_92, %lt3A_95 : i1
      %convert_element_type3A_96 = arith.extui %and3A : i1 to i32
      %cond3A_97 = arith.constant 0 : i32
      %cond3A_98 = arith.cmpi ne, %convert_element_type3A_96, %cond3A_97 : i32
      scf.if %cond3A_98 {
        %dma_wait3A_177 = arith.constant 0 : i32
        %dma_wait3A_178 = tpu.memref_slice %arg8[%sub3A_91, %dma_wait3A_177] : memref<80x125xi32, #tpu.memory_space<vmem>> -> memref<1x125xi32, #tpu.memory_space<vmem>>
        %dma_wait3A_179 = tpu.memref_squeeze %dma_wait3A_178 : memref<1x125xi32, #tpu.memory_space<vmem>> -> memref<125xi32, #tpu.memory_space<vmem>>
        %dma_wait3A_180 = arith.constant 0 : i32
        %dma_wait3A_181 = arith.constant 0 : i32
        %dma_wait3A_182 = tpu.memref_slice %arg13[%dma_wait3A_180, %dma_wait3A_181] : memref<10000x128xbf16, #tpu.memory_space<vmem_shared>> -> memref<10000x128xbf16, #tpu.memory_space<vmem_shared>>
        tpu.wait_indirect_dma semaphore(%arg20 : memref<!tpu.dma_semaphore, #tpu.memory_space<semaphore_mem>>) src(%arg11 : memref<125x128xbf16, #tpu.memory_space<vmem>>) dst(%dma_wait3A_182 : memref<10000x128xbf16, #tpu.memory_space<vmem_shared>>)
        %add3A_183 = arith.constant 4 : i32
        %add3A_184 = arith.addi %sub3A_91, %add3A_183 : i32
        %dma_start3A_185 = arith.constant 0 : i32
        %dma_start3A_186 = tpu.memref_slice %arg7[%add3A_184, %dma_start3A_185] : memref<80x125xi32, #tpu.memory_space<vmem>> -> memref<1x125xi32, #tpu.memory_space<vmem>>
        %dma_start3A_187 = tpu.memref_squeeze %dma_start3A_186 : memref<1x125xi32, #tpu.memory_space<vmem>> -> memref<125xi32, #tpu.memory_space<vmem>>
        %dma_start3A_188 = arith.constant 0 : i32
        %dma_start3A_189 = arith.constant 0 : i32
        %dma_start3A_190 = tpu.memref_slice %arg2[%dma_start3A_188, %dma_start3A_189] : memref<10000x128xbf16, #tpu.memory_space<hbm>> -> memref<10000x128xbf16, #tpu.memory_space<hbm>>
        tpu.enqueue_indirect_dma source(%dma_start3A_190 : memref<10000x128xbf16, #tpu.memory_space<hbm>>) target(%arg11 : memref<125x128xbf16, #tpu.memory_space<vmem>>) offsets(%dma_start3A_187 : memref<125xi32, #tpu.memory_space<vmem>>) semaphore(%arg16 : memref<!tpu.dma_semaphore, #tpu.memory_space<semaphore_mem>>)
      } else {
      }
      %add3A_99 = arith.constant 1 : i32
      %add3A_100 = arith.addi %add3A_76, %add3A_99 : i32
      %dma_wait3A_101 = arith.constant 0 : i32
      %dma_wait3A_102 = tpu.memref_slice %arg7[%add3A_100, %dma_wait3A_101] : memref<80x125xi32, #tpu.memory_space<vmem>> -> memref<1x125xi32, #tpu.memory_space<vmem>>
      %dma_wait3A_103 = tpu.memref_squeeze %dma_wait3A_102 : memref<1x125xi32, #tpu.memory_space<vmem>> -> memref<125xi32, #tpu.memory_space<vmem>>
      %dma_wait3A_104 = arith.constant 0 : i32
      %dma_wait3A_105 = arith.constant 0 : i32
      %dma_wait3A_106 = tpu.memref_slice %arg2[%dma_wait3A_104, %dma_wait3A_105] : memref<10000x128xbf16, #tpu.memory_space<hbm>> -> memref<10000x128xbf16, #tpu.memory_space<hbm>>
      tpu.wait_indirect_dma semaphore(%arg15 : memref<!tpu.dma_semaphore, #tpu.memory_space<semaphore_mem>>) src(%dma_wait3A_106 : memref<10000x128xbf16, #tpu.memory_space<hbm>>) dst(%arg10 : memref<125x128xbf16, #tpu.memory_space<vmem>>)
      %dma_start3A_107 = arith.constant 0 : i32
      %dma_start3A_108 = tpu.memref_slice %arg8[%add3A_100, %dma_start3A_107] : memref<80x125xi32, #tpu.memory_space<vmem>> -> memref<1x125xi32, #tpu.memory_space<vmem>>
      %dma_start3A_109 = tpu.memref_squeeze %dma_start3A_108 : memref<1x125xi32, #tpu.memory_space<vmem>> -> memref<125xi32, #tpu.memory_space<vmem>>
      %dma_start3A_110 = arith.constant 0 : i32
      %dma_start3A_111 = arith.constant 0 : i32
      %dma_start3A_112 = tpu.memref_slice %arg13[%dma_start3A_110, %dma_start3A_111] : memref<10000x128xbf16, #tpu.memory_space<vmem_shared>> -> memref<10000x128xbf16, #tpu.memory_space<vmem_shared>>
      tpu.enqueue_indirect_dma source(%arg10 : memref<125x128xbf16, #tpu.memory_space<vmem>>) target(%dma_start3A_112 : memref<10000x128xbf16, #tpu.memory_space<vmem_shared>>) offsets(%dma_start3A_109 : memref<125xi32, #tpu.memory_space<vmem>>) semaphore(%arg19 : memref<!tpu.dma_semaphore, #tpu.memory_space<semaphore_mem>>) {add = true}
      %sub3A_113 = arith.constant 2 : i32
      %sub3A_114 = arith.subi %add3A_100, %sub3A_113 : i32
      %ge3A_115 = arith.constant 0 : i32
      %ge3A_116 = arith.cmpi sge, %sub3A_114, %ge3A_115 : i32
      %add3A_117 = arith.constant 4 : i32
      %add3A_118 = arith.addi %sub3A_114, %add3A_117 : i32
      %lt3A_119 = arith.constant 80 : i32
      %lt3A_120 = arith.cmpi slt, %add3A_118, %lt3A_119 : i32
      %and3A_121 = arith.andi %ge3A_116, %lt3A_120 : i1
      %convert_element_type3A_122 = arith.extui %and3A_121 : i1 to i32
      %cond3A_123 = arith.constant 0 : i32
      %cond3A_124 = arith.cmpi ne, %convert_element_type3A_122, %cond3A_123 : i32
      scf.if %cond3A_124 {
        %dma_wait3A_177 = arith.constant 0 : i32
        %dma_wait3A_178 = tpu.memref_slice %arg8[%sub3A_114, %dma_wait3A_177] : memref<80x125xi32, #tpu.memory_space<vmem>> -> memref<1x125xi32, #tpu.memory_space<vmem>>
        %dma_wait3A_179 = tpu.memref_squeeze %dma_wait3A_178 : memref<1x125xi32, #tpu.memory_space<vmem>> -> memref<125xi32, #tpu.memory_space<vmem>>
        %dma_wait3A_180 = arith.constant 0 : i32
        %dma_wait3A_181 = arith.constant 0 : i32
        %dma_wait3A_182 = tpu.memref_slice %arg13[%dma_wait3A_180, %dma_wait3A_181] : memref<10000x128xbf16, #tpu.memory_space<vmem_shared>> -> memref<10000x128xbf16, #tpu.memory_space<vmem_shared>>
        tpu.wait_indirect_dma semaphore(%arg21 : memref<!tpu.dma_semaphore, #tpu.memory_space<semaphore_mem>>) src(%arg12 : memref<125x128xbf16, #tpu.memory_space<vmem>>) dst(%dma_wait3A_182 : memref<10000x128xbf16, #tpu.memory_space<vmem_shared>>)
        %add3A_183 = arith.constant 4 : i32
        %add3A_184 = arith.addi %sub3A_114, %add3A_183 : i32
        %dma_start3A_185 = arith.constant 0 : i32
        %dma_start3A_186 = tpu.memref_slice %arg7[%add3A_184, %dma_start3A_185] : memref<80x125xi32, #tpu.memory_space<vmem>> -> memref<1x125xi32, #tpu.memory_space<vmem>>
        %dma_start3A_187 = tpu.memref_squeeze %dma_start3A_186 : memref<1x125xi32, #tpu.memory_space<vmem>> -> memref<125xi32, #tpu.memory_space<vmem>>
        %dma_start3A_188 = arith.constant 0 : i32
        %dma_start3A_189 = arith.constant 0 : i32
        %dma_start3A_190 = tpu.memref_slice %arg2[%dma_start3A_188, %dma_start3A_189] : memref<10000x128xbf16, #tpu.memory_space<hbm>> -> memref<10000x128xbf16, #tpu.memory_space<hbm>>
        tpu.enqueue_indirect_dma source(%dma_start3A_190 : memref<10000x128xbf16, #tpu.memory_space<hbm>>) target(%arg12 : memref<125x128xbf16, #tpu.memory_space<vmem>>) offsets(%dma_start3A_187 : memref<125xi32, #tpu.memory_space<vmem>>) semaphore(%arg17 : memref<!tpu.dma_semaphore, #tpu.memory_space<semaphore_mem>>)
      } else {
      }
      %add3A_125 = arith.constant 2 : i32
      %add3A_126 = arith.addi %add3A_76, %add3A_125 : i32
      %dma_wait3A_127 = arith.constant 0 : i32
      %dma_wait3A_128 = tpu.memref_slice %arg7[%add3A_126, %dma_wait3A_127] : memref<80x125xi32, #tpu.memory_space<vmem>> -> memref<1x125xi32, #tpu.memory_space<vmem>>
      %dma_wait3A_129 = tpu.memref_squeeze %dma_wait3A_128 : memref<1x125xi32, #tpu.memory_space<vmem>> -> memref<125xi32, #tpu.memory_space<vmem>>
      %dma_wait3A_130 = arith.constant 0 : i32
      %dma_wait3A_131 = arith.constant 0 : i32
      %dma_wait3A_132 = tpu.memref_slice %arg2[%dma_wait3A_130, %dma_wait3A_131] : memref<10000x128xbf16, #tpu.memory_space<hbm>> -> memref<10000x128xbf16, #tpu.memory_space<hbm>>
      tpu.wait_indirect_dma semaphore(%arg16 : memref<!tpu.dma_semaphore, #tpu.memory_space<semaphore_mem>>) src(%dma_wait3A_132 : memref<10000x128xbf16, #tpu.memory_space<hbm>>) dst(%arg11 : memref<125x128xbf16, #tpu.memory_space<vmem>>)
      %dma_start3A_133 = arith.constant 0 : i32
      %dma_start3A_134 = tpu.memref_slice %arg8[%add3A_126, %dma_start3A_133] : memref<80x125xi32, #tpu.memory_space<vmem>> -> memref<1x125xi32, #tpu.memory_space<vmem>>
      %dma_start3A_135 = tpu.memref_squeeze %dma_start3A_134 : memref<1x125xi32, #tpu.memory_space<vmem>> -> memref<125xi32, #tpu.memory_space<vmem>>
      %dma_start3A_136 = arith.constant 0 : i32
      %dma_start3A_137 = arith.constant 0 : i32
      %dma_start3A_138 = tpu.memref_slice %arg13[%dma_start3A_136, %dma_start3A_137] : memref<10000x128xbf16, #tpu.memory_space<vmem_shared>> -> memref<10000x128xbf16, #tpu.memory_space<vmem_shared>>
      tpu.enqueue_indirect_dma source(%arg11 : memref<125x128xbf16, #tpu.memory_space<vmem>>) target(%dma_start3A_138 : memref<10000x128xbf16, #tpu.memory_space<vmem_shared>>) offsets(%dma_start3A_135 : memref<125xi32, #tpu.memory_space<vmem>>) semaphore(%arg20 : memref<!tpu.dma_semaphore, #tpu.memory_space<semaphore_mem>>) {add = true}
      %sub3A_139 = arith.constant 2 : i32
      %sub3A_140 = arith.subi %add3A_126, %sub3A_139 : i32
      %ge3A_141 = arith.constant 0 : i32
      %ge3A_142 = arith.cmpi sge, %sub3A_140, %ge3A_141 : i32
      %add3A_143 = arith.constant 4 : i32
      %add3A_144 = arith.addi %sub3A_140, %add3A_143 : i32
      %lt3A_145 = arith.constant 80 : i32
      %lt3A_146 = arith.cmpi slt, %add3A_144, %lt3A_145 : i32
      %and3A_147 = arith.andi %ge3A_142, %lt3A_146 : i1
      %convert_element_type3A_148 = arith.extui %and3A_147 : i1 to i32
      %cond3A_149 = arith.constant 0 : i32
      %cond3A_150 = arith.cmpi ne, %convert_element_type3A_148, %cond3A_149 : i32
      scf.if %cond3A_150 {
        %dma_wait3A_177 = arith.constant 0 : i32
        %dma_wait3A_178 = tpu.memref_slice %arg8[%sub3A_140, %dma_wait3A_177] : memref<80x125xi32, #tpu.memory_space<vmem>> -> memref<1x125xi32, #tpu.memory_space<vmem>>
        %dma_wait3A_179 = tpu.memref_squeeze %dma_wait3A_178 : memref<1x125xi32, #tpu.memory_space<vmem>> -> memref<125xi32, #tpu.memory_space<vmem>>
        %dma_wait3A_180 = arith.constant 0 : i32
        %dma_wait3A_181 = arith.constant 0 : i32
        %dma_wait3A_182 = tpu.memref_slice %arg13[%dma_wait3A_180, %dma_wait3A_181] : memref<10000x128xbf16, #tpu.memory_space<vmem_shared>> -> memref<10000x128xbf16, #tpu.memory_space<vmem_shared>>
        tpu.wait_indirect_dma semaphore(%arg18 : memref<!tpu.dma_semaphore, #tpu.memory_space<semaphore_mem>>) src(%arg9 : memref<125x128xbf16, #tpu.memory_space<vmem>>) dst(%dma_wait3A_182 : memref<10000x128xbf16, #tpu.memory_space<vmem_shared>>)
        %add3A_183 = arith.constant 4 : i32
        %add3A_184 = arith.addi %sub3A_140, %add3A_183 : i32
        %dma_start3A_185 = arith.constant 0 : i32
        %dma_start3A_186 = tpu.memref_slice %arg7[%add3A_184, %dma_start3A_185] : memref<80x125xi32, #tpu.memory_space<vmem>> -> memref<1x125xi32, #tpu.memory_space<vmem>>
        %dma_start3A_187 = tpu.memref_squeeze %dma_start3A_186 : memref<1x125xi32, #tpu.memory_space<vmem>> -> memref<125xi32, #tpu.memory_space<vmem>>
        %dma_start3A_188 = arith.constant 0 : i32
        %dma_start3A_189 = arith.constant 0 : i32
        %dma_start3A_190 = tpu.memref_slice %arg2[%dma_start3A_188, %dma_start3A_189] : memref<10000x128xbf16, #tpu.memory_space<hbm>> -> memref<10000x128xbf16, #tpu.memory_space<hbm>>
        tpu.enqueue_indirect_dma source(%dma_start3A_190 : memref<10000x128xbf16, #tpu.memory_space<hbm>>) target(%arg9 : memref<125x128xbf16, #tpu.memory_space<vmem>>) offsets(%dma_start3A_187 : memref<125xi32, #tpu.memory_space<vmem>>) semaphore(%arg14 : memref<!tpu.dma_semaphore, #tpu.memory_space<semaphore_mem>>)
      } else {
      }
      %add3A_151 = arith.constant 3 : i32
      %add3A_152 = arith.addi %add3A_76, %add3A_151 : i32
      %dma_wait3A_153 = arith.constant 0 : i32
      %dma_wait3A_154 = tpu.memref_slice %arg7[%add3A_152, %dma_wait3A_153] : memref<80x125xi32, #tpu.memory_space<vmem>> -> memref<1x125xi32, #tpu.memory_space<vmem>>
      %dma_wait3A_155 = tpu.memref_squeeze %dma_wait3A_154 : memref<1x125xi32, #tpu.memory_space<vmem>> -> memref<125xi32, #tpu.memory_space<vmem>>
      %dma_wait3A_156 = arith.constant 0 : i32
      %dma_wait3A_157 = arith.constant 0 : i32
      %dma_wait3A_158 = tpu.memref_slice %arg2[%dma_wait3A_156, %dma_wait3A_157] : memref<10000x128xbf16, #tpu.memory_space<hbm>> -> memref<10000x128xbf16, #tpu.memory_space<hbm>>
      tpu.wait_indirect_dma semaphore(%arg17 : memref<!tpu.dma_semaphore, #tpu.memory_space<semaphore_mem>>) src(%dma_wait3A_158 : memref<10000x128xbf16, #tpu.memory_space<hbm>>) dst(%arg12 : memref<125x128xbf16, #tpu.memory_space<vmem>>)
      %dma_start3A_159 = arith.constant 0 : i32
      %dma_start3A_160 = tpu.memref_slice %arg8[%add3A_152, %dma_start3A_159] : memref<80x125xi32, #tpu.memory_space<vmem>> -> memref<1x125xi32, #tpu.memory_space<vmem>>
      %dma_start3A_161 = tpu.memref_squeeze %dma_start3A_160 : memref<1x125xi32, #tpu.memory_space<vmem>> -> memref<125xi32, #tpu.memory_space<vmem>>
      %dma_start3A_162 = arith.constant 0 : i32
      %dma_start3A_163 = arith.constant 0 : i32
      %dma_start3A_164 = tpu.memref_slice %arg13[%dma_start3A_162, %dma_start3A_163] : memref<10000x128xbf16, #tpu.memory_space<vmem_shared>> -> memref<10000x128xbf16, #tpu.memory_space<vmem_shared>>
      tpu.enqueue_indirect_dma source(%arg12 : memref<125x128xbf16, #tpu.memory_space<vmem>>) target(%dma_start3A_164 : memref<10000x128xbf16, #tpu.memory_space<vmem_shared>>) offsets(%dma_start3A_161 : memref<125xi32, #tpu.memory_space<vmem>>) semaphore(%arg21 : memref<!tpu.dma_semaphore, #tpu.memory_space<semaphore_mem>>) {add = true}
      %sub3A_165 = arith.constant 2 : i32
      %sub3A_166 = arith.subi %add3A_152, %sub3A_165 : i32
      %ge3A_167 = arith.constant 0 : i32
      %ge3A_168 = arith.cmpi sge, %sub3A_166, %ge3A_167 : i32
      %add3A_169 = arith.constant 4 : i32
      %add3A_170 = arith.addi %sub3A_166, %add3A_169 : i32
      %lt3A_171 = arith.constant 80 : i32
      %lt3A_172 = arith.cmpi slt, %add3A_170, %lt3A_171 : i32
      %and3A_173 = arith.andi %ge3A_168, %lt3A_172 : i1
      %convert_element_type3A_174 = arith.extui %and3A_173 : i1 to i32
      %cond3A_175 = arith.constant 0 : i32
      %cond3A_176 = arith.cmpi ne, %convert_element_type3A_174, %cond3A_175 : i32
      scf.if %cond3A_176 {
        %dma_wait3A_177 = arith.constant 0 : i32
        %dma_wait3A_178 = tpu.memref_slice %arg8[%sub3A_166, %dma_wait3A_177] : memref<80x125xi32, #tpu.memory_space<vmem>> -> memref<1x125xi32, #tpu.memory_space<vmem>>
        %dma_wait3A_179 = tpu.memref_squeeze %dma_wait3A_178 : memref<1x125xi32, #tpu.memory_space<vmem>> -> memref<125xi32, #tpu.memory_space<vmem>>
        %dma_wait3A_180 = arith.constant 0 : i32
        %dma_wait3A_181 = arith.constant 0 : i32
        %dma_wait3A_182 = tpu.memref_slice %arg13[%dma_wait3A_180, %dma_wait3A_181] : memref<10000x128xbf16, #tpu.memory_space<vmem_shared>> -> memref<10000x128xbf16, #tpu.memory_space<vmem_shared>>
        tpu.wait_indirect_dma semaphore(%arg19 : memref<!tpu.dma_semaphore, #tpu.memory_space<semaphore_mem>>) src(%arg10 : memref<125x128xbf16, #tpu.memory_space<vmem>>) dst(%dma_wait3A_182 : memref<10000x128xbf16, #tpu.memory_space<vmem_shared>>)
        %add3A_183 = arith.constant 4 : i32
        %add3A_184 = arith.addi %sub3A_166, %add3A_183 : i32
        %dma_start3A_185 = arith.constant 0 : i32
        %dma_start3A_186 = tpu.memref_slice %arg7[%add3A_184, %dma_start3A_185] : memref<80x125xi32, #tpu.memory_space<vmem>> -> memref<1x125xi32, #tpu.memory_space<vmem>>
        %dma_start3A_187 = tpu.memref_squeeze %dma_start3A_186 : memref<1x125xi32, #tpu.memory_space<vmem>> -> memref<125xi32, #tpu.memory_space<vmem>>
        %dma_start3A_188 = arith.constant 0 : i32
        %dma_start3A_189 = arith.constant 0 : i32
        %dma_start3A_190 = tpu.memref_slice %arg2[%dma_start3A_188, %dma_start3A_189] : memref<10000x128xbf16, #tpu.memory_space<hbm>> -> memref<10000x128xbf16, #tpu.memory_space<hbm>>
        tpu.enqueue_indirect_dma source(%dma_start3A_190 : memref<10000x128xbf16, #tpu.memory_space<hbm>>) target(%arg10 : memref<125x128xbf16, #tpu.memory_space<vmem>>) offsets(%dma_start3A_187 : memref<125xi32, #tpu.memory_space<vmem>>) semaphore(%arg15 : memref<!tpu.dma_semaphore, #tpu.memory_space<semaphore_mem>>)
      } else {
      }
    }
    %scan3A_36 = arith.constant 20 : i32
    %dma_wait3A = arith.constant 76 : i32
    %dma_wait3A_37 = arith.constant 0 : i32
    %dma_wait3A_38 = tpu.memref_slice %arg8[%dma_wait3A, %dma_wait3A_37] : memref<80x125xi32, #tpu.memory_space<vmem>> -> memref<1x125xi32, #tpu.memory_space<vmem>>
    %dma_wait3A_39 = tpu.memref_squeeze %dma_wait3A_38 : memref<1x125xi32, #tpu.memory_space<vmem>> -> memref<125xi32, #tpu.memory_space<vmem>>
    %dma_wait3A_40 = arith.constant 0 : i32
    %dma_wait3A_41 = arith.constant 0 : i32
    %dma_wait3A_42 = tpu.memref_slice %arg13[%dma_wait3A_40, %dma_wait3A_41] : memref<10000x128xbf16, #tpu.memory_space<vmem_shared>> -> memref<10000x128xbf16, #tpu.memory_space<vmem_shared>>
    tpu.wait_indirect_dma semaphore(%arg18 : memref<!tpu.dma_semaphore, #tpu.memory_space<semaphore_mem>>) src(%arg9 : memref<125x128xbf16, #tpu.memory_space<vmem>>) dst(%dma_wait3A_42 : memref<10000x128xbf16, #tpu.memory_space<vmem_shared>>)
    %dma_wait3A_43 = arith.constant 77 : i32
    %dma_wait3A_44 = arith.constant 0 : i32
    %dma_wait3A_45 = tpu.memref_slice %arg8[%dma_wait3A_43, %dma_wait3A_44] : memref<80x125xi32, #tpu.memory_space<vmem>> -> memref<1x125xi32, #tpu.memory_space<vmem>>
    %dma_wait3A_46 = tpu.memref_squeeze %dma_wait3A_45 : memref<1x125xi32, #tpu.memory_space<vmem>> -> memref<125xi32, #tpu.memory_space<vmem>>
    %dma_wait3A_47 = arith.constant 0 : i32
    %dma_wait3A_48 = arith.constant 0 : i32
    %dma_wait3A_49 = tpu.memref_slice %arg13[%dma_wait3A_47, %dma_wait3A_48] : memref<10000x128xbf16, #tpu.memory_space<vmem_shared>> -> memref<10000x128xbf16, #tpu.memory_space<vmem_shared>>
    tpu.wait_indirect_dma semaphore(%arg19 : memref<!tpu.dma_semaphore, #tpu.memory_space<semaphore_mem>>) src(%arg10 : memref<125x128xbf16, #tpu.memory_space<vmem>>) dst(%dma_wait3A_49 : memref<10000x128xbf16, #tpu.memory_space<vmem_shared>>)
    %dma_wait3A_50 = arith.constant 78 : i32
    %dma_wait3A_51 = arith.constant 0 : i32
    %dma_wait3A_52 = tpu.memref_slice %arg8[%dma_wait3A_50, %dma_wait3A_51] : memref<80x125xi32, #tpu.memory_space<vmem>> -> memref<1x125xi32, #tpu.memory_space<vmem>>
    %dma_wait3A_53 = tpu.memref_squeeze %dma_wait3A_52 : memref<1x125xi32, #tpu.memory_space<vmem>> -> memref<125xi32, #tpu.memory_space<vmem>>
    %dma_wait3A_54 = arith.constant 0 : i32
    %dma_wait3A_55 = arith.constant 0 : i32
    %dma_wait3A_56 = tpu.memref_slice %arg13[%dma_wait3A_54, %dma_wait3A_55] : memref<10000x128xbf16, #tpu.memory_space<vmem_shared>> -> memref<10000x128xbf16, #tpu.memory_space<vmem_shared>>
    tpu.wait_indirect_dma semaphore(%arg20 : memref<!tpu.dma_semaphore, #tpu.memory_space<semaphore_mem>>) src(%arg11 : memref<125x128xbf16, #tpu.memory_space<vmem>>) dst(%dma_wait3A_56 : memref<10000x128xbf16, #tpu.memory_space<vmem_shared>>)
    %dma_wait3A_57 = arith.constant 79 : i32
    %dma_wait3A_58 = arith.constant 0 : i32
    %dma_wait3A_59 = tpu.memref_slice %arg8[%dma_wait3A_57, %dma_wait3A_58] : memref<80x125xi32, #tpu.memory_space<vmem>> -> memref<1x125xi32, #tpu.memory_space<vmem>>
    %dma_wait3A_60 = tpu.memref_squeeze %dma_wait3A_59 : memref<1x125xi32, #tpu.memory_space<vmem>> -> memref<125xi32, #tpu.memory_space<vmem>>
    %dma_wait3A_61 = arith.constant 0 : i32
    %dma_wait3A_62 = arith.constant 0 : i32
    %dma_wait3A_63 = tpu.memref_slice %arg13[%dma_wait3A_61, %dma_wait3A_62] : memref<10000x128xbf16, #tpu.memory_space<vmem_shared>> -> memref<10000x128xbf16, #tpu.memory_space<vmem_shared>>
    tpu.wait_indirect_dma semaphore(%arg21 : memref<!tpu.dma_semaphore, #tpu.memory_space<semaphore_mem>>) src(%arg12 : memref<125x128xbf16, #tpu.memory_space<vmem>>) dst(%dma_wait3A_63 : memref<10000x128xbf16, #tpu.memory_space<vmem_shared>>)
    %barrier3A_64 = arith.constant 0 : index
    tpu.barrier barrier_id(%barrier3A_64)
    %eq3A = arith.constant 0 : i32
    %eq3A_65 = arith.cmpi eq, %arg0, %eq3A : i32
    %convert_element_type3A = arith.extui %eq3A_65 : i1 to i32
    %cond3A = arith.constant 0 : i32
    %cond3A_66 = arith.cmpi ne, %convert_element_type3A, %cond3A : i32
    scf.if %cond3A_66 {
      "tpu.region"() ({
        %run_scoped3A_72 = tpu.sem_alloc : memref<!tpu.dma_semaphore, #tpu.memory_space<semaphore_mem>>
        %dma_start3A_73 = arith.constant 0 : i32
        %dma_start3A_74 = tpu.memref_slice %arg5[%mul3A_4, %dma_start3A_73] : memref<10000x128xbf16, #tpu.memory_space<hbm>> -> memref<625x128xbf16, #tpu.memory_space<hbm>>
        %dma_start3A_75 = arith.constant 0 : i32
        %dma_start3A_76 = tpu.memref_slice %arg13[%mul3A_4, %dma_start3A_75] : memref<10000x128xbf16, #tpu.memory_space<vmem_shared>> -> memref<625x128xbf16, #tpu.memory_space<vmem_shared>>
        tpu.enqueue_dma source(%dma_start3A_76 : memref<625x128xbf16, #tpu.memory_space<vmem_shared>>) target(%dma_start3A_74 : memref<625x128xbf16, #tpu.memory_space<hbm>>) target_semaphore(%run_scoped3A_72 : memref<!tpu.dma_semaphore, #tpu.memory_space<semaphore_mem>>)
        %dma_wait3A_77 = arith.constant 0 : i32
        %dma_wait3A_78 = tpu.memref_slice %arg5[%mul3A_4, %dma_wait3A_77] : memref<10000x128xbf16, #tpu.memory_space<hbm>> -> memref<625x128xbf16, #tpu.memory_space<hbm>>
        %dma_wait3A_79 = arith.constant 0 : i32
        %dma_wait3A_80 = tpu.memref_slice %arg13[%mul3A_4, %dma_wait3A_79] : memref<10000x128xbf16, #tpu.memory_space<vmem_shared>> -> memref<625x128xbf16, #tpu.memory_space<vmem_shared>>
        tpu.wait_dma2 semaphore(%run_scoped3A_72 : memref<!tpu.dma_semaphore, #tpu.memory_space<semaphore_mem>>) src(%dma_wait3A_80 : memref<625x128xbf16, #tpu.memory_space<vmem_shared>>) dst(%dma_wait3A_78 : memref<625x128xbf16, #tpu.memory_space<hbm>>)
        tpu.yield
      }) : () -> ()
    } else {
    }
    %eq3A_67 = arith.constant 1 : i32
    %eq3A_68 = arith.cmpi eq, %arg0, %eq3A_67 : i32
    %convert_element_type3A_69 = arith.extui %eq3A_68 : i1 to i32
    %cond3A_70 = arith.constant 0 : i32
    %cond3A_71 = arith.cmpi ne, %convert_element_type3A_69, %cond3A_70 : i32
    scf.if %cond3A_71 {
      "tpu.region"() ({
        %run_scoped3A_72 = tpu.sem_alloc : memref<!tpu.dma_semaphore, #tpu.memory_space<semaphore_mem>>
        %dma_start3A_73 = arith.constant 0 : i32
        %dma_start3A_74 = tpu.memref_slice %arg6[%mul3A_4, %dma_start3A_73] : memref<10000x128xbf16, #tpu.memory_space<hbm>> -> memref<625x128xbf16, #tpu.memory_space<hbm>>
        %dma_start3A_75 = arith.constant 0 : i32
        %dma_start3A_76 = tpu.memref_slice %arg13[%mul3A_4, %dma_start3A_75] : memref<10000x128xbf16, #tpu.memory_space<vmem_shared>> -> memref<625x128xbf16, #tpu.memory_space<vmem_shared>>
        tpu.enqueue_dma source(%dma_start3A_76 : memref<625x128xbf16, #tpu.memory_space<vmem_shared>>) target(%dma_start3A_74 : memref<625x128xbf16, #tpu.memory_space<hbm>>) target_semaphore(%run_scoped3A_72 : memref<!tpu.dma_semaphore, #tpu.memory_space<semaphore_mem>>)
        %dma_wait3A_77 = arith.constant 0 : i32
        %dma_wait3A_78 = tpu.memref_slice %arg6[%mul3A_4, %dma_wait3A_77] : memref<10000x128xbf16, #tpu.memory_space<hbm>> -> memref<625x128xbf16, #tpu.memory_space<hbm>>
        %dma_wait3A_79 = arith.constant 0 : i32
        %dma_wait3A_80 = tpu.memref_slice %arg13[%mul3A_4, %dma_wait3A_79] : memref<10000x128xbf16, #tpu.memory_space<vmem_shared>> -> memref<625x128xbf16, #tpu.memory_space<vmem_shared>>
        tpu.wait_dma2 semaphore(%run_scoped3A_72 : memref<!tpu.dma_semaphore, #tpu.memory_space<semaphore_mem>>) src(%dma_wait3A_80 : memref<625x128xbf16, #tpu.memory_space<vmem_shared>>) dst(%dma_wait3A_78 : memref<625x128xbf16, #tpu.memory_space<hbm>>)
        tpu.yield
      }) : () -> ()
    } else {
    }
    return
  }
}

module attributes {stable_mosaic.version = 14 : i64} {
  func.func @_mm1_body(%arg0: i32, %arg1: memref<2000x128xf32, #tpu.memory_space<vmem>>, %arg2: memref<128x128xf32, #tpu.memory_space<vmem>>, %arg3: memref<2000x128xbf16, #tpu.memory_space<vmem>>) attributes {dimension_semantics = [#tpu.dimension_semantics<arbitrary>], iteration_bounds = array<i64: 5>, scalar_prefetch = 0 : i64, scratch_operands = 0 : i64, tpu.core_type = #tpu.core_type<tc>, window_params = [{transform_indices = @transform_0, window_bounds = array<i64: 2000, 128>}, {pipeline_mode = #tpu.pipeline_mode<synchronous>, transform_indices = @transform_1, window_bounds = array<i64: 128, 128>}, {transform_indices = @transform_2, window_bounds = array<i64: 2000, 128>}]} {
    %get3A = arith.constant 0 : index
    %get3A_0 = arith.constant 0 : index
    %get3A_1 = vector.load %arg1[%get3A, %get3A_0] : memref<2000x128xf32, #tpu.memory_space<vmem>>, vector<2000x128xf32>
    %get3A_2 = arith.constant 0 : index
    %get3A_3 = arith.constant 0 : index
    %get3A_4 = vector.load %arg2[%get3A_2, %get3A_3] : memref<128x128xf32, #tpu.memory_space<vmem>>, vector<128x128xf32>
    %dot_general3A = arith.constant dense<0.000000e+00> : vector<2000x128xf32>
    %dot_general3A_5 = tpu.matmul %get3A_1, %get3A_4, %dot_general3A {dimension_numbers = #tpu.dot_dimension_numbers<[1], [1], [0], [0], [0, 0, 1, 0], [], []>, transpose_lhs_hint = false} : vector<2000x128xf32>, vector<128x128xf32>, vector<2000x128xf32> -> vector<2000x128xf32>
    %convert_element_type3A = arith.truncf %dot_general3A_5 : vector<2000x128xf32> to vector<2000x128xbf16>
    %swap3A = arith.constant 0 : index
    %swap3A_6 = arith.constant 0 : index
    %swap3A_7 = vector.load %arg3[%swap3A, %swap3A_6] : memref<2000x128xbf16, #tpu.memory_space<vmem>>, vector<2000x128xbf16>
    tpu.vector_store %arg3[%swap3A, %swap3A_6], %convert_element_type3A {strides = array<i32>} : memref<2000x128xbf16, #tpu.memory_space<vmem>>, vector<2000x128xbf16>,
    return
  }
  func.func @transform_0(%arg0: i32) -> (i32, i32) {
    %c0_i32 = arith.constant 0 : i32
    %c0_i32_0 = arith.constant 0 : i32
    return %arg0, %c0_i32 : i32, i32
  }
  func.func @transform_1(%arg0: i32) -> (i32, i32) {
    %c0_i32 = arith.constant 0 : i32
    %c0_i32_0 = arith.constant 0 : i32
    %c0_i32_1 = arith.constant 0 : i32
    return %c0_i32, %c0_i32_0 : i32, i32
  }
  func.func @transform_2(%arg0: i32) -> (i32, i32) {
    %c0_i32 = arith.constant 0 : i32
    %c0_i32_0 = arith.constant 0 : i32
    return %arg0, %c0_i32 : i32, i32
  }
}

module attributes {stable_mosaic.version = 14 : i64} {
  func.func @_mm2_body(%arg0: i32, %arg1: memref<2000x128xbf16, #tpu.memory_space<vmem>>, %arg2: memref<2000x128xbf16, #tpu.memory_space<vmem>>, %arg3: memref<128x128xf32, #tpu.memory_space<vmem>>, %arg4: memref<2000x128xbf16, #tpu.memory_space<vmem>>) attributes {dimension_semantics = [#tpu.dimension_semantics<arbitrary>], iteration_bounds = array<i64: 5>, scalar_prefetch = 0 : i64, scratch_operands = 0 : i64, tpu.core_type = #tpu.core_type<tc>, window_params = [{transform_indices = @transform_0, window_bounds = array<i64: 2000, 128>}, {transform_indices = @transform_1, window_bounds = array<i64: 2000, 128>}, {pipeline_mode = #tpu.pipeline_mode<synchronous>, transform_indices = @transform_2, window_bounds = array<i64: 128, 128>}, {transform_indices = @transform_3, window_bounds = array<i64: 2000, 128>}]} {
    %get3A = arith.constant 0 : index
    %get3A_0 = arith.constant 0 : index
    %get3A_1 = vector.load %arg1[%get3A, %get3A_0] : memref<2000x128xbf16, #tpu.memory_space<vmem>>, vector<2000x128xbf16>
    %convert_element_type3A = arith.extf %get3A_1 : vector<2000x128xbf16> to vector<2000x128xf32>
    %get3A_2 = arith.constant 0 : index
    %get3A_3 = arith.constant 0 : index
    %get3A_4 = vector.load %arg2[%get3A_2, %get3A_3] : memref<2000x128xbf16, #tpu.memory_space<vmem>>, vector<2000x128xbf16>
    %convert_element_type3A_5 = arith.extf %get3A_4 : vector<2000x128xbf16> to vector<2000x128xf32>
    %add3A = arith.addf %convert_element_type3A, %convert_element_type3A_5 : vector<2000x128xf32>
    %max3A = arith.constant 0.000000e+00 : f32
    %max3A_6 = vector.broadcast %max3A : f32 to vector<2000x128xf32>
    %max3A_7 = arith.maximumf %add3A, %max3A_6 : vector<2000x128xf32>
    %get3A_8 = arith.constant 0 : index
    %get3A_9 = arith.constant 0 : index
    %get3A_10 = vector.load %arg3[%get3A_8, %get3A_9] : memref<128x128xf32, #tpu.memory_space<vmem>>, vector<128x128xf32>
    %dot_general3A = arith.constant dense<0.000000e+00> : vector<2000x128xf32>
    %dot_general3A_11 = tpu.matmul %max3A_7, %get3A_10, %dot_general3A {dimension_numbers = #tpu.dot_dimension_numbers<[1], [1], [0], [0], [0, 0, 1, 0], [], []>, transpose_lhs_hint = false} : vector<2000x128xf32>, vector<128x128xf32>, vector<2000x128xf32> -> vector<2000x128xf32>
    %convert_element_type3A_12 = arith.truncf %dot_general3A_11 : vector<2000x128xf32> to vector<2000x128xbf16>
    %swap3A = arith.constant 0 : index
    %swap3A_13 = arith.constant 0 : index
    %swap3A_14 = vector.load %arg4[%swap3A, %swap3A_13] : memref<2000x128xbf16, #tpu.memory_space<vmem>>, vector<2000x128xbf16>
    tpu.vector_store %arg4[%swap3A, %swap3A_13], %convert_element_type3A_12 {strides = array<i32>} : memref<2000x128xbf16, #tpu.memory_space<vmem>>, vector<2000x128xbf16>,
    return
  }
  func.func @transform_0(%arg0: i32) -> (i32, i32) {
    %c0_i32 = arith.constant 0 : i32
    %c0_i32_0 = arith.constant 0 : i32
    return %arg0, %c0_i32 : i32, i32
  }
  func.func @transform_1(%arg0: i32) -> (i32, i32) {
    %c0_i32 = arith.constant 0 : i32
    %c0_i32_0 = arith.constant 0 : i32
    return %arg0, %c0_i32 : i32, i32
  }
  func.func @transform_2(%arg0: i32) -> (i32, i32) {
    %c0_i32 = arith.constant 0 : i32
    %c0_i32_0 = arith.constant 0 : i32
    %c0_i32_1 = arith.constant 0 : i32
    return %c0_i32, %c0_i32_0 : i32, i32
  }
  func.func @transform_3(%arg0: i32) -> (i32, i32) {
    %c0_i32 = arith.constant 0 : i32
    %c0_i32_0 = arith.constant 0 : i32
    return %arg0, %c0_i32 : i32, i32
  }
}

module attributes {stable_mosaic.version = 14 : i64} {
  func.func @_lsm_body(%arg0: i32, %arg1: memref<2000x128xbf16, #tpu.memory_space<vmem>>, %arg2: memref<2000x128xbf16, #tpu.memory_space<vmem>>, %arg3: memref<2000x128xf32, #tpu.memory_space<vmem>>) attributes {dimension_semantics = [#tpu.dimension_semantics<arbitrary>], iteration_bounds = array<i64: 5>, scalar_prefetch = 0 : i64, scratch_operands = 0 : i64, tpu.core_type = #tpu.core_type<tc>, window_params = [{transform_indices = @transform_0, window_bounds = array<i64: 2000, 128>}, {transform_indices = @transform_1, window_bounds = array<i64: 2000, 128>}, {transform_indices = @transform_2, window_bounds = array<i64: 2000, 128>}]} {
    %get3A = arith.constant 0 : index
    %get3A_0 = arith.constant 0 : index
    %get3A_1 = vector.load %arg1[%get3A, %get3A_0] : memref<2000x128xbf16, #tpu.memory_space<vmem>>, vector<2000x128xbf16>
    %convert_element_type3A = arith.extf %get3A_1 : vector<2000x128xbf16> to vector<2000x128xf32>
    %get3A_2 = arith.constant 0 : index
    %get3A_3 = arith.constant 0 : index
    %get3A_4 = vector.load %arg2[%get3A_2, %get3A_3] : memref<2000x128xbf16, #tpu.memory_space<vmem>>, vector<2000x128xbf16>
    %convert_element_type3A_5 = arith.extf %get3A_4 : vector<2000x128xbf16> to vector<2000x128xf32>
    %add3A = arith.addf %convert_element_type3A, %convert_element_type3A_5 : vector<2000x128xf32>
    %reduce_max3A = arith.constant dense<0xFF800000> : vector<2000xf32>
    %reduce_max3A_6 = vector.multi_reduction <maximumf>, %add3A, %reduce_max3A [1] : vector<2000x128xf32> to vector<2000xf32>
    %broadcast_in_dim3A = vector.shape_cast %reduce_max3A_6 : vector<2000xf32> to vector<2000x1xf32>
    %sub3A = vector.broadcast %broadcast_in_dim3A : vector<2000x1xf32> to vector<2000x128xf32>
    %sub3A_7 = arith.subf %add3A, %sub3A : vector<2000x128xf32>
    %exp3A = math.exp %sub3A_7 : vector<2000x128xf32>
    %reduce_sum3A = arith.constant dense<0.000000e+00> : vector<2000xf32>
    %reduce_sum3A_8 = vector.multi_reduction <add>, %exp3A, %reduce_sum3A [1] : vector<2000x128xf32> to vector<2000xf32>
    %broadcast_in_dim3A_9 = vector.shape_cast %reduce_sum3A_8 : vector<2000xf32> to vector<2000x1xf32>
    %sub3A_10 = vector.broadcast %broadcast_in_dim3A : vector<2000x1xf32> to vector<2000x128xf32>
    %sub3A_11 = arith.subf %add3A, %sub3A_10 : vector<2000x128xf32>
    %log3A = math.log %broadcast_in_dim3A_9 : vector<2000x1xf32>
    %sub3A_12 = vector.broadcast %log3A : vector<2000x1xf32> to vector<2000x128xf32>
    %sub3A_13 = arith.subf %sub3A_11, %sub3A_12 : vector<2000x128xf32>
    %swap3A = arith.constant 0 : index
    %swap3A_14 = arith.constant 0 : index
    %swap3A_15 = vector.load %arg3[%swap3A, %swap3A_14] : memref<2000x128xf32, #tpu.memory_space<vmem>>, vector<2000x128xf32>
    tpu.vector_store %arg3[%swap3A, %swap3A_14], %sub3A_13 {strides = array<i32>} : memref<2000x128xf32, #tpu.memory_space<vmem>>, vector<2000x128xf32>,
    return
  }
  func.func @transform_0(%arg0: i32) -> (i32, i32) {
    %c0_i32 = arith.constant 0 : i32
    %c0_i32_0 = arith.constant 0 : i32
    return %arg0, %c0_i32 : i32, i32
  }
  func.func @transform_1(%arg0: i32) -> (i32, i32) {
    %c0_i32 = arith.constant 0 : i32
    %c0_i32_0 = arith.constant 0 : i32
    return %arg0, %c0_i32 : i32, i32
  }
  func.func @transform_2(%arg0: i32) -> (i32, i32) {
    %c0_i32 = arith.constant 0 : i32
    %c0_i32_0 = arith.constant 0 : i32
    return %arg0, %c0_i32 : i32, i32
  }
}

</mosaic_0001>

<sc_bundles>
// kernel: kernel.10.cloned.1.call-start
scs
__scs_entry_jumppad:
0x0: {  	(pc) =	sbr.rel $0x88, $3  }
0x1: {  	(tag) =	ssettag $0x0;
	lr =	simm.s32 $0x1  }
0x2: {  	[smem:$0x3F9D] =	sst lr;
	_ =	strace $0xD0000000  }
0x3: {  	_ = 	snop  }
0x4: {  	_ = 	snop  }
0x5: {  	_ = 	snop  }
0x6: {  	_ = 	snop  }
0x7: {  	_ = 	snop  }
__scs_overlays_trampoline_lowered:
0x8: {  	[smem:$0x3FAC] =	sst s0  }
0x9: {  	[smem:$0x3FAD] =	sst s1  }
0xa: {  	[smem:$0x3FAE] =	sst s2  }
0xb: {  	[smem:$0x3FAF] =	sst s3  }
0xc: {  	[smem:$0x3FB0] =	sst s4  }
0xd: {  	[smem:$0x3FB1] =	sst s5  }
0xe: {  	[smem:$0x3FB2] =	sst s6  }
0xf: {  	[smem:$0x3FB3] =	sst s7  }
0x10: {  	[smem:$0x3FB4] =	sst s8  }
0x11: {  	[smem:$0x3FB5] =	sst s9;
	s0 =	simm.s32 @!p0 $0x0  }
0x12: {  	s1 =	sld [smem:$0x3F9B];
	s0 =	simm.s32 @p0 $0x1  }
0x13: {  	[smem:$0x3FB6] =	sst s0;
	s0 =	simm.s32 @!p1 $0x0  }
0x14: {  	s2 =	sld [smem:$0x3F9A];
	s0 =	simm.s32 @p1 $0x1  }
0x15: {  	[smem:$0x3FB7] =	sst s0;
	s0 =	simm.s32 @!p2 $0x0  }
0x16: {  	s3 =	sld [smem:$0x3FDB];
	s0 =	simm.s32 @p2 $0x1  }
0x17: {  	s4 =	simm.s32 $0x1BF5;
	[smem:$0x3FB9] =	sst s0  }
0x18: {  	s0 =	sld [smem:$0x3F9C];
	_ =	swait.ge [sflag:s4], $0x0  }
0x19: {  	s7 =	sld [smem:$0x3F9D]  }
0x1a: {  	s8 =	sadd.s32 $0xFFFFE003, lr  }
0x1b: {  	s9 =	sadd.s32 $0xFFFFFEF7, lr;
	s5 =	simm.s32 $0xFFFFFFFF;
	p2 =	slt.u32 s8, $0xFFFFF086  }
0x1c: {  	p1 =	slt.u32 s9, $0xF7A;
	s5 =	simm.s32 @!p2 $0x0  }
0x1d: {  	s5 =	simm.s32 @p1 $0x1;
	p0 =	seq.s32 s7, s2  }
0x1e: {  	s7 =	smul.u32 @!p0 $0xF7A, s2;
	p2 =	seq.s32 @!p0 s5, $0x0  }
0x1f: {  	s9 =	smul.u32 $0xF7A, s1;
	s8 =	simm.s32 @!p0 $0x1BF5;
	p2 =	por !p2, p0  }
0x20: {  	[sflag:s8] =	ssyncset.s32 @!p0 $0xFFFFF086;
	s6 =	sadd.s32 @!p0 s3, s7;
	s7 =	simm.s32 @!p0 $0x108  }
0x21: {  	s3 =	sadd.s32 s3, s9;
	s6 =	sadd.s32 @!p0 $0x88, s6;
	s7 =	simm.s32 @p2 $0x1082  }
0x22: {  	[simem:s7], [sflag:s8] =	dma.local @!p0 [hbm:s6], $0xF7A  }
0x23: {  	s9 =	sor.u32 $0xD0000000, s2;
	s6 =	simm.s32 $0x108;
	_ =	swait.ge @!p0 [sflag:s8], $0x0  }
0x24: {  	s3 =	sadd.s32 $0x88, s3;
	s6 =	simm.s32 @!p1 $0x1082;
	[sflag:s4] =	ssyncset.s32 $0xFFFFF086  }
0x25: {  	[simem:s6], [sflag:s4] =	dma.local [hbm:s3], $0xF7A  }
0x26: {  	[smem:$0x3F9D] =	sst s1;
	(tag) =	ssettag s2;
	_ =	strace s9  }
0x27: {  	s1 =	sld [smem:$0x3FAD]  }
0x28: {  	s2 =	sld [smem:$0x3FAE]  }
0x29: {  	s4 =	sld [smem:$0x3FB0]  }
0x2a: {  	p0 =	seq.s32 s5, $0x0;
	s5 =	sld [smem:$0x3FB1]  }
0x2b: {  	s6 =	sld [smem:$0x3FB2]  }
0x2c: {  	s7 =	sld [smem:$0x3FB3]  }
0x2d: {  	s3 =	simm.s32 $0x108;
	s8 =	sld [smem:$0x3FB4]  }
0x2e: {  	s3 =	simm.s32 @!p0 $0x1082;
	s9 =	sld [smem:$0x3FB5]  }
0x2f: {  	lr =	sadd.s32 s0, s3;
	s0 =	sld [smem:$0x3FAC]  }
0x30: {  	s3 =	sld [smem:$0x3FAF]  }
0x31: {  	[smem:$0x3FB8] =	sst s10  }
0x32: {  	s10 =	sld [smem:$0x3FB6];
	_ =	sdelay $0x3  }
0x33: {  	p0 =	seq.s32 s10, $0x1;
	s10 =	sld [smem:$0x3FB8];
	_ =	sdelay $0x3  }
0x34: {  	[smem:$0x3FB8] =	sst s10  }
0x35: {  	s10 =	sld [smem:$0x3FB7];
	_ =	sdelay $0x3  }
0x36: {  	p1 =	seq.s32 s10, $0x1;
	s10 =	sld [smem:$0x3FB8];
	_ =	sdelay $0x3  }
0x37: {  	[smem:$0x3FB8] =	sst s10  }
0x38: {  	s10 =	sld [smem:$0x3FB9]  }
0x39: {  	_ = 	snop;
	(pc) =	sbr.ind lr, $3  }
0x3a: {  	_ = 	snop  }
0x3b: {  	_ = 	snop  }
0x3c: {  	p2 =	seq.s32 s10, $0x1;
	s10 =	sld [smem:$0x3FB8]  }
0x3d: {  	_ =	shalt  }
0x3e: {  	_ =	shalt  }
0x3f: {  	_ =	shalt  }
0x40: {  	_ =	shalt  }
0x41: {  	_ =	shalt  }
0x42: {  	_ =	shalt  }
0x43: {  	_ =	shalt  }
0x44: {  	_ =	shalt  }
0x45: {  	_ =	shalt  }
0x46: {  	_ =	shalt  }
0x47: {  	_ =	shalt  }
0x48: {  	_ =	shalt  }
0x49: {  	_ =	shalt  }
0x4a: {  	_ =	shalt  }
0x4b: {  	_ =	shalt  }
0x4c: {  	_ =	shalt  }
0x4d: {  	_ =	shalt  }
0x4e: {  	_ =	shalt  }
0x4f: {  	_ =	shalt  }
0x50: {  	_ =	shalt  }
0x51: {  	_ =	shalt  }
0x52: {  	_ =	shalt  }
0x53: {  	_ =	shalt  }
0x54: {  	_ =	shalt  }
0x55: {  	_ =	shalt  }
0x56: {  	_ =	shalt  }
0x57: {  	_ =	shalt  }
0x58: {  	_ =	shalt  }
0x59: {  	_ =	shalt  }
0x5a: {  	_ =	shalt  }
0x5b: {  	_ =	shalt  }
0x5c: {  	_ =	shalt  }
0x5d: {  	_ =	shalt  }
0x5e: {  	_ =	shalt  }
0x5f: {  	_ =	shalt  }
0x60: {  	_ =	shalt  }
0x61: {  	_ =	shalt  }
0x62: {  	_ =	shalt  }
0x63: {  	_ =	shalt  }
0x64: {  	_ =	shalt  }
0x65: {  	_ =	shalt  }
0x66: {  	_ =	shalt  }
0x67: {  	_ =	shalt  }
0x68: {  	_ =	shalt  }
0x69: {  	_ =	shalt  }
0x6a: {  	_ =	shalt  }
0x6b: {  	_ =	shalt  }
0x6c: {  	_ =	shalt  }
0x6d: {  	_ =	shalt  }
0x6e: {  	_ =	shalt  }
0x6f: {  	_ =	shalt  }
0x70: {  	_ =	shalt  }
0x71: {  	_ =	shalt  }
0x72: {  	_ =	shalt  }
0x73: {  	_ =	shalt  }
0x74: {  	_ =	shalt  }
0x75: {  	_ =	shalt  }
0x76: {  	_ =	shalt  }
0x77: {  	_ =	shalt  }
0x78: {  	_ =	shalt  }
0x79: {  	_ =	shalt  }
0x7a: {  	_ =	shalt  }
0x7b: {  	_ =	shalt  }
0x7c: {  	_ =	shalt  }
0x7d: {  	_ =	shalt  }
0x7e: {  	_ =	shalt  }
0x7f: {  	_ =	shalt  }
0x80: {  	_ =	shalt  }
0x81: {  	_ =	shalt  }
0x82: {  	_ =	shalt  }
0x83: {  	_ =	shalt  }
0x84: {  	_ =	shalt  }
0x85: {  	_ =	shalt  }
0x86: {  	_ =	shalt  }
0x87: {  	_ =	shalt  }
.Lfunc_end0:
.L_simem_size_0:
called_computation.1_lowered:
.L_overlay_start_0:
0x88: {  	s2 =	sld [smem:$0x3FD9]  }
0x89: {  	s3 =	sld [smem:$0x3FFE];
	_ =	sdelay $0x1  }
0x8a: {  	s1 =	srdreg.scid  }
0x8b: {  	s0 =	sand.u32 $0x1, s1  }
0x8c: {  	s17 =	sshll.u32 s0, $0xA;
	s2 =	sadd.s32 s3, s2  }
0x8d: {  	s2 =	sadd.s32 s2, s17  }
0x8e: {  	[smem:$0x3FC4] =	sst s2  }
0x8f: {  	_ = 	snop  }
0x90: {  	s2 =	sld [smem:$0x3FD0];
	(tm) =	ssettm $0x1  }
0x91: {  	s18 =	sld [smem:$0x3FFB];
	_ =	sdelay $0x3  }
0x92: {  	_ =	strace s18  }
0x93: {  	s3 =	sld [smem:$0x3FFC];
	_ =	sdelay $0x3  }
0x94: {  	_ =	strace s3  }
0x95: {  	s3 =	sld [smem:$0x3FFD];
	_ =	sdelay $0x3  }
0x96: {  	_ =	strace s3  }
0x97: {  	_ =	strace $0x8FFFFFFF  }
0x98: {  	s19 =	sld [smem:$0x3FDB];
	_ =	sdelay $0x1  }
0x99: {  	s4 =	simm.s32 $_scs_section_size  }
0x9a: {  	s5 =	simm.s32 $_size__tile_overlayer_lowered;
	s6 =	simm.s32 $_tile_overlayer_lowered  }
0x9b: {  	s22 =	simm.s32 $0x1BFF;
	s21 =	sshll.u32 s6, $0x1;
	s3 =	sadd.s32 s4, s19  }
0x9c: {  	s7 =	simm.s32 $0x0;
	s20 =	sshll.u32 s5, $0x1;
	s5 =	sadd.s32 s21, s3  }
0x9d: {  	[timem:s7], [sflag:s22] =	dma.local [hbm:s5], s20  }
0x9e: {  	_ =	swait.ge [sflag:s22], s20  }
0x9f: {  	s4 =	ssub.s32 $0x0, s20;
	[sflag:s22] =	ssyncset.done $0x0  }
0xa0: {  	[sflag:s22] =	ssyncadd.s32 s4;
	_ =	sdelay $0x1  }
0xa1: {  	s23 =	simm.s32 $0x1B8B  }
0xa2: {  	_ =	swait.ge [sflag:s23], $0x1  }
0xa3: {  	[sflag:s23] =	ssyncset.done $0x0  }
0xa4: {  	s25 =	simm.s32 $0x1B8E;
	s24 =	sld [smem:$0x3FFE];
	[sflag:s23] =	ssyncadd.s32 $0xFFFFFFFF  }
0xa5: {  	s26 =	simm.s32 $execute0_lowered;
	[smem:$0x3FD2] =	sst s25  }
0xa6: {  	s5 =	sshll.u32 s26, $0x1;
	_ =	strace $0x80000049;
	[dreg:$0x1] =	wrdreg $0xFFFFFFFF  }
0xa7: {  	s28 =	simm.s32 $_size_execute0_lowered;
	s3 =	sadd.s32 s3, s5;
	[dreg:$0x0] =	wrdreg $0x0  }
0xa8: {  	s5 =	sshll.u32 s28, $0x1;
	[dreg:$0x2] =	wrdreg s3  }
0xa9: {  	[dreg:$0x3] =	wrdreg s5  }
0xaa: {  	[dreg:$0x4] =	wrdreg $0xC0  }
0xab: {  	_ =	task [dreg:s7], $0x5FFFF  }
0xac: {  	[dreg:$0x1] =	wrdreg $0xFFFFFFFF  }
0xad: {  	[dreg:$0x0] =	wrdreg $0x60  }
0xae: {  	[dreg:$0x2] =	wrdreg s24  }
0xaf: {  	[dreg:$0x3] =	wrdreg s2  }
0xb0: {  	[dreg:$0x4] =	wrdreg $0xCD000  }
0xb1: {  	[dreg:$0x5] =	wrdreg $0x9  }
0xb2: {  	_ =	task.clear_ibuf [dreg:s7], $0x6FFFF;
	_ =	strace $0x90000049  }
0xb3: {  	s29 =	simm.s32 $0x9;
	_ =	strace $0x8000004B  }
0xb4: {  	_ =	swait.ge [sflag:s29], $0x1  }
0xb5: {  	[sflag:s29] =	ssyncadd.s32 $0xFFFFFFFF  }
0xb6: {  	_ =	strace $0x9000004B  }
0xb7: {  	_ =	sfence  }
0xb8: {  	s30 =	sld [smem:$0x0];
	_ =	sdelay $0x2  }
0xb9: {  	s31 =	sshll.u32 s1, $0xD;
	s1 =	sshrl.u32 s1, $0x2  }
0xba: {  	s3 =	sand.u32 $0x4000, s31;
	s1 =	sadd.s32 s1, s30  }
0xbb: {  	s0 =	sor.u32 s3, s0;
	s1 =	sshll.u32 s1, $0x11  }
0xbc: {  	s0 =	sor.u32 s1, s0  }
0xbd: {  	s0 =	sadd.s32 $0x8F2B, s0  }
0xbe: {  	[sflag:s0] =	ssyncadd.remote.s32 $0x1  }
0xbf: {  	_ =	sfence.sel $0xFFFF  }
0xc0: {  	[dreg:$0x0] =	wrdreg $0xFFFFFFFF;
	(pc) =	sbr.abs _section_cstart, $3  }
0xc1: {  	[dreg:$0x1] =	wrdreg $0xFFFFFFFF  }
0xc2: {  	_ =	task.clear_ibuf [dreg:s7], $0x2FFFF;
	_ =	strace $0x9FFFFFFF  }
0xc3: {  	(tm) =	ssettm $0x7FFFFFFF  }
tec
execute0_lowered:
.L_overlay_start_1:
0x0: {  	(tag) =	ssettag $0x1  }
0x1: {  	s0 =	rddreg [dreg:$0x0]  }
0x2: {  	s2 =	rddreg [dreg:$0x1]  }
0x3: {  	s1 =	rddreg [dreg:$0x2];
	s3 =	srdreg.scid  }
0x4: {  	s11 =	stileid.u32;
	s14 =	simm.s32 $0x7D;
	s15 =	simm.s32 $0x5000  }
0x5: {  	s17 =	simm.s32 $0x6F40;
	s19 =	simm.s32 $0x8E80;
	s21 =	simm.s32 $0xADC0  }
0x6: {  	s22 =	simm.s32 $0x1;
	s23 =	simm.s32 $0x2;
	s28 =	simm.s32 $0x5  }
0x7: {  	s30 =	simm.s32 $0x4;
	s16 =	simm.s32 $0x7;
	s18 =	simm.s32 $0x8  }
0x8: {  	s20 =	simm.s32 $0x4F80;
	s24 =	simm.s32 $0x0;
	s7 =	sand.u32 $0x1, s3  }
0x9: {  	s3 =	simm.s32 $0x0;
	s5 =	sadd.s32 $0x1C00, s0;
	s26 =	smul.u32 $0x13880, s11  }
0xa: {  	s31 =	sshll.u32 s11, $0x6;
	s4 =	sshll.u32 s7, $0x4;
	[smem:$0x7FF] =	sst s3  }
0xb: {  	s6 =	ssub.s32 $0x2, s7;
	p0 =	seq.s32 s7, $0x1;
	s12 =	sor.u32 $0x1C09, s31  }
0xc: {  	s4 =	sor.u32 s11, s4;
	_ =	strace $0x8000004A;
	s9 =	sshrl.u32 s6, $0x1  }
0xd: {  	s10 =	sshrl.u32 s26, $0x1;
	s29 =	sshrl.u32 s26, $0x4;
	s8 =	smul.u32 $0x2800, s4  }
0xe: {  	s11 =	simm.s32 $0x2800;
	s4 =	sadd.s32 $0x3000, s0;
	s9 =	ssub.s32 s6, s9  }
.Ltmp0:
0xf: {  	s13 =	sadd.s32 s10, s1;
	s25 =	sshrl.u32 s8, $0x3;
	(pc) =	sbr.rel .LBB2_1-.Ltmp0, $4  }
0x10: {  	s10 =	simm.s32 $0x9;
	s6 =	sadd.s32 s2, s25;
	s2 =	simm.s32 $0x2A400  }
0x11: {  	s13 =	sshrl.u32 s13, $0x3;
	s8 =	smax.u32 s9, $0x1;
	s2 =	simm.s32 @!p0 $0x16A00  }
0x12: {  	s25 =	simm.s32 $0x3;
	s7 =	sadd.s32 $0xA000, s6;
	s0 =	sadd.s32 s2, s0  }
0x13: {  	s2 =	simm.s32 $0x280;
	s9 =	sadd.s32 s0, s29;
	s0 =	simm.s32 $0x6  }
.LBB2_4:
0x14: {  	_ =	swait.ge [sflag:s30], $0x1F40  }
0x15: {  	[sflag:s30] =	ssyncset.done $0x0  }
0x16: {  	[sflag:s30] =	ssyncadd.s32 $0xFFFFE0C0  }
0x17: {  	[spmem:s1] =	stream.indirect.scatter.add.bf16 [tilespmem:s21], [sflag:$0x8], $0x40, s20, s14, $0xb8;
	[tilespmem:$0x16940] =	vst v63  }
0x18: {  	_ =	swait.ge [sflag:s28], $0x1F40  }
0x19: {  	[sflag:s28] =	ssyncset.done $0x0  }
0x1a: {  	[sflag:s28] =	ssyncadd.s32 $0xFFFFE0C0  }
0x1b: {  	_ =	swait.ge [sflag:s0], $0x1F40  }
0x1c: {  	[sflag:s0] =	ssyncset.done $0x0  }
0x1d: {  	[sflag:s0] =	ssyncadd.s32 $0xFFFFE0C0  }
0x1e: {  	_ =	swait.ge [sflag:s16], $0x1F40  }
0x1f: {  	[sflag:s16] =	ssyncset.done $0x0  }
0x20: {  	[sflag:s16] =	ssyncadd.s32 $0xFFFFE0C0  }
0x21: {  	_ =	swait.ge [sflag:s18], $0x1F40  }
0x22: {  	s24 =	sadd.s32 $0x1, s24;
	[sflag:s18] =	ssyncset.done $0x0  }
0x23: {  	p0 =	sne.s32 s24, s8;
	[sflag:s18] =	ssyncadd.s32 $0xFFFFE0C0  }
.Ltmp1:
0x24: {  	[bflag:$0x0] =	sbarrier.arrive $0xFFFF;
	(pc) =	sbr.rel @!p0 .LBB2_5-.Ltmp1, $4  }
0x25: {  	[hbm:s9], [sflag:s12] =	dma.local [spmem:s13], $0x1388  }
0x26: {  	_ =	swait.ge [sflag:s10], $0x1388  }
0x27: {  	[sflag:s10] =	ssyncset.done $0x0  }
0x28: {  	[sflag:s10] =	ssyncadd.s32 $0xFFFFEC78  }
.LBB2_1:
0x29: {  	[tilespmem:s3], [sflag:$0x9] =	stream.linear.gather [hbm4b:s6+s3], $0x2800, $0x38;
	[tilespmem:$0x16940] =	vst v63  }
0x2a: {  	_ =	swait.ge [sflag:s10], $0x2800  }
0x2b: {  	[sflag:s10] =	ssyncset.done $0x0  }
0x2c: {  	[sflag:s10] =	ssyncadd.s32 $0xFFFFD800  }
0x2d: {  	[tilespmem:s11], [sflag:$0x9] =	stream.linear.gather [hbm4b:s7+s3], $0x2800, $0x38;
	[tilespmem:$0x16940] =	vst v63  }
0x2e: {  	_ =	swait.ge [sflag:s10], $0x2800  }
0x2f: {  	[sflag:s10] =	ssyncset.done $0x0  }
0x30: {  	[sflag:s10] =	ssyncadd.s32 $0xFFFFD800  }
0x31: {  	[spmem:s13], [sflag:s12] =	dma.local [hbm:s5], $0x1388  }
0x32: {  	_ =	swait.ge [sflag:s10], $0x1388  }
0x33: {  	[sflag:s10] =	ssyncset.done $0x0  }
0x34: {  	[sflag:s10] =	ssyncadd.s32 $0xFFFFEC78  }
0x35: {  	[bflag:$0x0] =	sbarrier.arrive $0xFFFF  }
0x36: {  	[tilespmem:s15], [sflag:$0x1] =	stream.indirect.gather [hbm4b:s4+s14], $0x40, s3, s14, $0xb8;
	[tilespmem:$0x16940] =	vst v63  }
0x37: {  	s26 =	simm.s32 $0x80  }
0x38: {  	[tilespmem:s17], [sflag:$0x2] =	stream.indirect.gather [hbm4b:s4+s14], $0x40, s26, s14, $0xb8;
	[tilespmem:$0x16940] =	vst v63  }
0x39: {  	s29 =	simm.s32 $0x100  }
0x3a: {  	[tilespmem:s19], [sflag:$0x3] =	stream.indirect.gather [hbm4b:s4+s14], $0x40, s29, s14, $0xb8;
	[tilespmem:$0x16940] =	vst v63  }
0x3b: {  	s31 =	simm.s32 $0x180  }
0x3c: {  	[tilespmem:s21], [sflag:$0x4] =	stream.indirect.gather [hbm4b:s4+s14], $0x40, s31, s14, $0xb8;
	[tilespmem:$0x16940] =	vst v63  }
0x3d: {  	_ =	swait.ge [sflag:s22], $0x1F40  }
0x3e: {  	[sflag:s22] =	ssyncset.done $0x0  }
0x3f: {  	[sflag:s22] =	ssyncadd.s32 $0xFFFFE0C0  }
0x40: {  	[spmem:s1] =	stream.indirect.scatter.add.bf16 [tilespmem:s15], [sflag:$0x5], $0x40, s11, s14, $0xb8;
	[tilespmem:$0x16940] =	vst v63  }
0x41: {  	_ =	swait.ge [sflag:s23], $0x1F40  }
0x42: {  	[sflag:s23] =	ssyncset.done $0x0  }
0x43: {  	s29 =	simm.s32 $0x2880;
	[sflag:s23] =	ssyncadd.s32 $0xFFFFE0C0  }
0x44: {  	[spmem:s1] =	stream.indirect.scatter.add.bf16 [tilespmem:s17], [sflag:$0x6], $0x40, s29, s14, $0xb8;
	[tilespmem:$0x16940] =	vst v63  }
0x45: {  	_ =	swait.ge [sflag:s25], $0x1F40  }
0x46: {  	[sflag:s25] =	ssyncset.done $0x0  }
0x47: {  	s31 =	simm.s32 $0x2900;
	[sflag:s25] =	ssyncadd.s32 $0xFFFFE0C0  }
0x48: {  	[spmem:s1] =	stream.indirect.scatter.add.bf16 [tilespmem:s19], [sflag:$0x7], $0x40, s31, s14, $0xb8;
	[tilespmem:$0x16940] =	vst v63  }
0x49: {  	_ =	swait.ge [sflag:s28], $0x1F40  }
0x4a: {  	[sflag:s28] =	ssyncset.done $0x0  }
0x4b: {  	s29 =	simm.s32 $0x200;
	[sflag:s28] =	ssyncadd.s32 $0xFFFFE0C0  }
0x4c: {  	[tilespmem:s15], [sflag:$0x1] =	stream.indirect.gather [hbm4b:s4+s14], $0x40, s29, s14, $0xb8;
	[tilespmem:$0x16940] =	vst v63  }
0x4d: {  	_ =	swait.ge [sflag:s30], $0x1F40  }
0x4e: {  	[sflag:s30] =	ssyncset.done $0x0  }
0x4f: {  	s31 =	simm.s32 $0x2980;
	[sflag:s30] =	ssyncadd.s32 $0xFFFFE0C0  }
0x50: {  	[spmem:s1] =	stream.indirect.scatter.add.bf16 [tilespmem:s21], [sflag:$0x8], $0x40, s31, s14, $0xb8;
	[tilespmem:$0x16940] =	vst v63  }
0x51: {  	_ =	swait.ge [sflag:s0], $0x1F40  }
0x52: {  	[sflag:s0] =	ssyncset.done $0x0  }
0x53: {  	s26 =	simm.s32 $0x0;
	[sflag:s0] =	ssyncadd.s32 $0xFFFFE0C0  }
0x54: {  	[tilespmem:s17], [sflag:$0x2] =	stream.indirect.gather [hbm4b:s4+s14], $0x40, s2, s14, $0xb8;
	[tilespmem:$0x16940] =	vst v63  }
.LBB2_2:
0x55: {  	_ =	swait.ge [sflag:s22], $0x1F40  }
0x56: {  	s29 =	sshra.s32 s26, $0x2;
	[sflag:s22] =	ssyncset.done $0x0  }
0x57: {  	s31 =	sadd.s32 $0x2A00, s29;
	[sflag:s22] =	ssyncadd.s32 $0xFFFFE0C0  }
0x58: {  	[spmem:s1] =	stream.indirect.scatter.add.bf16 [tilespmem:s15], [sflag:$0x5], $0x40, s31, s14, $0xb8;
	[tilespmem:$0x16940] =	vst v63  }
0x59: {  	_ =	swait.ge [sflag:s16], $0x1F40  }
0x5a: {  	[sflag:s16] =	ssyncset.done $0x0  }
0x5b: {  	s31 =	sadd.s32 $0x300, s29;
	[sflag:s16] =	ssyncadd.s32 $0xFFFFE0C0  }
0x5c: {  	[tilespmem:s19], [sflag:$0x3] =	stream.indirect.gather [hbm4b:s4+s14], $0x40, s31, s14, $0xb8;
	[tilespmem:$0x16940] =	vst v63  }
0x5d: {  	_ =	swait.ge [sflag:s23], $0x1F40  }
0x5e: {  	[sflag:s23] =	ssyncset.done $0x0  }
0x5f: {  	s31 =	sadd.s32 $0x2A80, s29;
	[sflag:s23] =	ssyncadd.s32 $0xFFFFE0C0  }
0x60: {  	[spmem:s1] =	stream.indirect.scatter.add.bf16 [tilespmem:s17], [sflag:$0x6], $0x40, s31, s14, $0xb8;
	[tilespmem:$0x16940] =	vst v63  }
0x61: {  	_ =	swait.ge [sflag:s18], $0x1F40  }
0x62: {  	[sflag:s18] =	ssyncset.done $0x0  }
0x63: {  	p0 =	seq.s32 s26, $0x9000;
	s31 =	sadd.s32 $0x380, s29;
	[sflag:s18] =	ssyncadd.s32 $0xFFFFE0C0  }
0x64: {  	[tilespmem:s21], [sflag:$0x4] =	stream.indirect.gather [hbm4b:s4+s14], $0x40, s31, s14, $0xb8;
	[tilespmem:$0x16940] =	vst v63  }
.Ltmp2:
0x65: {  	_ = 	snop;
	(pc) =	sbr.rel @p0 .LBB2_4-.Ltmp2, $4  }
0x66: {  	_ =	swait.ge [sflag:s25], $0x1F40  }
0x67: {  	[sflag:s25] =	ssyncset.done $0x0  }
0x68: {  	s31 =	sadd.s32 $0x2B00, s29;
	[sflag:s25] =	ssyncadd.s32 $0xFFFFE0C0  }
0x69: {  	[spmem:s1] =	stream.indirect.scatter.add.bf16 [tilespmem:s19], [sflag:$0x7], $0x40, s31, s14, $0xb8;
	[tilespmem:$0x16940] =	vst v63  }
0x6a: {  	_ =	swait.ge [sflag:s28], $0x1F40  }
0x6b: {  	[sflag:s28] =	ssyncset.done $0x0  }
0x6c: {  	s31 =	sadd.s32 $0x400, s29;
	[sflag:s28] =	ssyncadd.s32 $0xFFFFE0C0  }
0x6d: {  	[tilespmem:s15], [sflag:$0x1] =	stream.indirect.gather [hbm4b:s4+s14], $0x40, s31, s14, $0xb8;
	[tilespmem:$0x16940] =	vst v63  }
0x6e: {  	_ =	swait.ge [sflag:s30], $0x1F40  }
0x6f: {  	[sflag:s30] =	ssyncset.done $0x0  }
0x70: {  	s31 =	sadd.s32 $0x2B80, s29;
	[sflag:s30] =	ssyncadd.s32 $0xFFFFE0C0  }
0x71: {  	[spmem:s1] =	stream.indirect.scatter.add.bf16 [tilespmem:s21], [sflag:$0x8], $0x40, s31, s14, $0xb8;
	[tilespmem:$0x16940] =	vst v63  }
.Ltmp3:
0x72: {  	_ = 	snop;
	(pc) =	sbr.rel .LBB2_2-.Ltmp3, $4  }
0x73: {  	_ =	swait.ge [sflag:s0], $0x1F40  }
0x74: {  	[sflag:s0] =	ssyncset.done $0x0  }
0x75: {  	s26 =	sadd.s32 $0x800, s26;
	s31 =	sadd.s32 $0x480, s29;
	[sflag:s0] =	ssyncadd.s32 $0xFFFFE0C0  }
0x76: {  	[tilespmem:s17], [sflag:$0x2] =	stream.indirect.gather [hbm4b:s4+s14], $0x40, s31, s14, $0xb8;
	[tilespmem:$0x16940] =	vst v63  }
.LBB2_5:
0x77: {  	_ =	sfence.sel $0x180000  }
0x78: {  	[bflag:$0x0] =	sbarrier.arrive $0xFFFF  }
0x79: {  	_ =	strace $0x9000004A  }
0x7a: {  	s0 =	stileid.u32;
	[bflag:$0x2] =	sbarrier.arrive $0xFFFF  }
0x7b: {  	p0 =	sne.s32 s0, $0x0;
	s0 =	rddreg [dreg:$0x3]  }
0x7c: {  	s0 =	sadd.s32 @!p0 $0x100000, s0  }
0x7d: {  	[sflag:s0] =	ssyncadd.tile.s32 @!p0 $0x1;
	_ =	shalt  }
.Lfunc_end2:
_tile_overlayer_lowered:
.L_overlay_start_2:
0x7e: {  	(tag) =	ssettag $0x2  }
0x7f: {  	s0 =	rddreg [dreg:$0x0];
	s2 =	stileid.u32  }
0x80: {  	s1 =	rddreg [dreg:$0x1];
	p0 =	sne.s32 s2, $0x0  }
0x81: {  	s3 =	rddreg [dreg:$0x2];
	[bflag:$0x3] =	sbarrier.arrive $0xFFFF;
	s2 =	simm.s32 @!p0 $0x1C09  }
0x82: {  	[timem:s3], [sflag:s2] =	dma.local @!p0 [hbm:s0], s1  }
0x83: {  	s0 =	simm.s32 @!p0 $0x9  }
0x84: {  	_ =	swait.ge @!p0 [sflag:s0], s1  }
0x85: {  	s1 =	ssub.s32 @!p0 $0x0, s1;
	[sflag:s0] =	ssyncset.done @!p0 $0x0  }
0x86: {  	[sflag:s0] =	ssyncadd.s32 @!p0 s1  }
0x87: {  	[bflag:$0x3] =	sbarrier.arrive $0xFFFF  }
0x88: {  	_ =	shalt  }

// kernel: kernel.7.cloned.1.call-start
scs
__scs_entry_jumppad:
0x0: {  	(pc) =	sbr.rel $0x88, $3  }
0x1: {  	(tag) =	ssettag $0x0;
	lr =	simm.s32 $0x1  }
0x2: {  	[smem:$0x3F9D] =	sst lr;
	_ =	strace $0xD0000000  }
0x3: {  	_ = 	snop  }
0x4: {  	_ = 	snop  }
0x5: {  	_ = 	snop  }
0x6: {  	_ = 	snop  }
0x7: {  	_ = 	snop  }
__scs_overlays_trampoline_lowered:
0x8: {  	[smem:$0x3FAC] =	sst s0  }
0x9: {  	[smem:$0x3FAD] =	sst s1  }
0xa: {  	[smem:$0x3FAE] =	sst s2  }
0xb: {  	[smem:$0x3FAF] =	sst s3  }
0xc: {  	[smem:$0x3FB0] =	sst s4  }
0xd: {  	[smem:$0x3FB1] =	sst s5  }
0xe: {  	[smem:$0x3FB2] =	sst s6  }
0xf: {  	[smem:$0x3FB3] =	sst s7  }
0x10: {  	[smem:$0x3FB4] =	sst s8  }
0x11: {  	[smem:$0x3FB5] =	sst s9;
	s0 =	simm.s32 @!p0 $0x0  }
0x12: {  	s1 =	sld [smem:$0x3F9B];
	s0 =	simm.s32 @p0 $0x1  }
0x13: {  	[smem:$0x3FB6] =	sst s0;
	s0 =	simm.s32 @!p1 $0x0  }
0x14: {  	s2 =	sld [smem:$0x3F9A];
	s0 =	simm.s32 @p1 $0x1  }
0x15: {  	[smem:$0x3FB7] =	sst s0;
	s0 =	simm.s32 @!p2 $0x0  }
0x16: {  	s3 =	sld [smem:$0x3FDB];
	s0 =	simm.s32 @p2 $0x1  }
0x17: {  	s4 =	simm.s32 $0x1BF5;
	[smem:$0x3FB9] =	sst s0  }
0x18: {  	s0 =	sld [smem:$0x3F9C];
	_ =	swait.ge [sflag:s4], $0x0  }
0x19: {  	s7 =	sld [smem:$0x3F9D]  }
0x1a: {  	s8 =	sadd.s32 $0xFFFFE003, lr  }
0x1b: {  	s9 =	sadd.s32 $0xFFFFFEF7, lr;
	s5 =	simm.s32 $0xFFFFFFFF;
	p2 =	slt.u32 s8, $0xFFFFF086  }
0x1c: {  	p1 =	slt.u32 s9, $0xF7A;
	s5 =	simm.s32 @!p2 $0x0  }
0x1d: {  	s5 =	simm.s32 @p1 $0x1;
	p0 =	seq.s32 s7, s2  }
0x1e: {  	s7 =	smul.u32 @!p0 $0xF7A, s2;
	p2 =	seq.s32 @!p0 s5, $0x0  }
0x1f: {  	s9 =	smul.u32 $0xF7A, s1;
	s8 =	simm.s32 @!p0 $0x1BF5;
	p2 =	por !p2, p0  }
0x20: {  	[sflag:s8] =	ssyncset.s32 @!p0 $0xFFFFF086;
	s6 =	sadd.s32 @!p0 s3, s7;
	s7 =	simm.s32 @!p0 $0x108  }
0x21: {  	s3 =	sadd.s32 s3, s9;
	s6 =	sadd.s32 @!p0 $0x88, s6;
	s7 =	simm.s32 @p2 $0x1082  }
0x22: {  	[simem:s7], [sflag:s8] =	dma.local @!p0 [hbm:s6], $0xF7A  }
0x23: {  	s9 =	sor.u32 $0xD0000000, s2;
	s6 =	simm.s32 $0x108;
	_ =	swait.ge @!p0 [sflag:s8], $0x0  }
0x24: {  	s3 =	sadd.s32 $0x88, s3;
	s6 =	simm.s32 @!p1 $0x1082;
	[sflag:s4] =	ssyncset.s32 $0xFFFFF086  }
0x25: {  	[simem:s6], [sflag:s4] =	dma.local [hbm:s3], $0xF7A  }
0x26: {  	[smem:$0x3F9D] =	sst s1;
	(tag) =	ssettag s2;
	_ =	strace s9  }
0x27: {  	s1 =	sld [smem:$0x3FAD]  }
0x28: {  	s2 =	sld [smem:$0x3FAE]  }
0x29: {  	s4 =	sld [smem:$0x3FB0]  }
0x2a: {  	p0 =	seq.s32 s5, $0x0;
	s5 =	sld [smem:$0x3FB1]  }
0x2b: {  	s6 =	sld [smem:$0x3FB2]  }
0x2c: {  	s7 =	sld [smem:$0x3FB3]  }
0x2d: {  	s3 =	simm.s32 $0x108;
	s8 =	sld [smem:$0x3FB4]  }
0x2e: {  	s3 =	simm.s32 @!p0 $0x1082;
	s9 =	sld [smem:$0x3FB5]  }
0x2f: {  	lr =	sadd.s32 s0, s3;
	s0 =	sld [smem:$0x3FAC]  }
0x30: {  	s3 =	sld [smem:$0x3FAF]  }
0x31: {  	[smem:$0x3FB8] =	sst s10  }
0x32: {  	s10 =	sld [smem:$0x3FB6];
	_ =	sdelay $0x3  }
0x33: {  	p0 =	seq.s32 s10, $0x1;
	s10 =	sld [smem:$0x3FB8];
	_ =	sdelay $0x3  }
0x34: {  	[smem:$0x3FB8] =	sst s10  }
0x35: {  	s10 =	sld [smem:$0x3FB7];
	_ =	sdelay $0x3  }
0x36: {  	p1 =	seq.s32 s10, $0x1;
	s10 =	sld [smem:$0x3FB8];
	_ =	sdelay $0x3  }
0x37: {  	[smem:$0x3FB8] =	sst s10  }
0x38: {  	s10 =	sld [smem:$0x3FB9]  }
0x39: {  	_ = 	snop;
	(pc) =	sbr.ind lr, $3  }
0x3a: {  	_ = 	snop  }
0x3b: {  	_ = 	snop  }
0x3c: {  	p2 =	seq.s32 s10, $0x1;
	s10 =	sld [smem:$0x3FB8]  }
0x3d: {  	_ =	shalt  }
0x3e: {  	_ =	shalt  }
0x3f: {  	_ =	shalt  }
0x40: {  	_ =	shalt  }
0x41: {  	_ =	shalt  }
0x42: {  	_ =	shalt  }
0x43: {  	_ =	shalt  }
0x44: {  	_ =	shalt  }
0x45: {  	_ =	shalt  }
0x46: {  	_ =	shalt  }
0x47: {  	_ =	shalt  }
0x48: {  	_ =	shalt  }
0x49: {  	_ =	shalt  }
0x4a: {  	_ =	shalt  }
0x4b: {  	_ =	shalt  }
0x4c: {  	_ =	shalt  }
0x4d: {  	_ =	shalt  }
0x4e: {  	_ =	shalt  }
0x4f: {  	_ =	shalt  }
0x50: {  	_ =	shalt  }
0x51: {  	_ =	shalt  }
0x52: {  	_ =	shalt  }
0x53: {  	_ =	shalt  }
0x54: {  	_ =	shalt  }
0x55: {  	_ =	shalt  }
0x56: {  	_ =	shalt  }
0x57: {  	_ =	shalt  }
0x58: {  	_ =	shalt  }
0x59: {  	_ =	shalt  }
0x5a: {  	_ =	shalt  }
0x5b: {  	_ =	shalt  }
0x5c: {  	_ =	shalt  }
0x5d: {  	_ =	shalt  }
0x5e: {  	_ =	shalt  }
0x5f: {  	_ =	shalt  }
0x60: {  	_ =	shalt  }
0x61: {  	_ =	shalt  }
0x62: {  	_ =	shalt  }
0x63: {  	_ =	shalt  }
0x64: {  	_ =	shalt  }
0x65: {  	_ =	shalt  }
0x66: {  	_ =	shalt  }
0x67: {  	_ =	shalt  }
0x68: {  	_ =	shalt  }
0x69: {  	_ =	shalt  }
0x6a: {  	_ =	shalt  }
0x6b: {  	_ =	shalt  }
0x6c: {  	_ =	shalt  }
0x6d: {  	_ =	shalt  }
0x6e: {  	_ =	shalt  }
0x6f: {  	_ =	shalt  }
0x70: {  	_ =	shalt  }
0x71: {  	_ =	shalt  }
0x72: {  	_ =	shalt  }
0x73: {  	_ =	shalt  }
0x74: {  	_ =	shalt  }
0x75: {  	_ =	shalt  }
0x76: {  	_ =	shalt  }
0x77: {  	_ =	shalt  }
0x78: {  	_ =	shalt  }
0x79: {  	_ =	shalt  }
0x7a: {  	_ =	shalt  }
0x7b: {  	_ =	shalt  }
0x7c: {  	_ =	shalt  }
0x7d: {  	_ =	shalt  }
0x7e: {  	_ =	shalt  }
0x7f: {  	_ =	shalt  }
0x80: {  	_ =	shalt  }
0x81: {  	_ =	shalt  }
0x82: {  	_ =	shalt  }
0x83: {  	_ =	shalt  }
0x84: {  	_ =	shalt  }
0x85: {  	_ =	shalt  }
0x86: {  	_ =	shalt  }
0x87: {  	_ =	shalt  }
.Lfunc_end0:
.L_simem_size_0:
called_computation_lowered:
.L_overlay_start_0:
0x88: {  	s2 =	sld [smem:$0x3FD9]  }
0x89: {  	s3 =	sld [smem:$0x3FFE];
	_ =	sdelay $0x1  }
0x8a: {  	s1 =	srdreg.scid  }
0x8b: {  	s0 =	sand.u32 $0x1, s1  }
0x8c: {  	s17 =	sshll.u32 s0, $0xA;
	s2 =	sadd.s32 s3, s2  }
0x8d: {  	s2 =	sadd.s32 s2, s17  }
0x8e: {  	[smem:$0x3FC4] =	sst s2  }
0x8f: {  	_ = 	snop  }
0x90: {  	s2 =	sld [smem:$0x3FD0];
	(tm) =	ssettm $0x1  }
0x91: {  	s18 =	sld [smem:$0x3FFB];
	_ =	sdelay $0x3  }
0x92: {  	_ =	strace s18  }
0x93: {  	s3 =	sld [smem:$0x3FFC];
	_ =	sdelay $0x3  }
0x94: {  	_ =	strace s3  }
0x95: {  	s3 =	sld [smem:$0x3FFD];
	_ =	sdelay $0x3  }
0x96: {  	_ =	strace s3  }
0x97: {  	_ =	strace $0x8FFFFFFF  }
0x98: {  	s19 =	sld [smem:$0x3FDB];
	_ =	sdelay $0x1  }
0x99: {  	s4 =	simm.s32 $_scs_section_size  }
0x9a: {  	s5 =	simm.s32 $_size__tile_overlayer_lowered;
	s6 =	simm.s32 $_tile_overlayer_lowered  }
0x9b: {  	s22 =	simm.s32 $0x1BFF;
	s21 =	sshll.u32 s6, $0x1;
	s3 =	sadd.s32 s4, s19  }
0x9c: {  	s7 =	simm.s32 $0x0;
	s20 =	sshll.u32 s5, $0x1;
	s5 =	sadd.s32 s21, s3  }
0x9d: {  	[timem:s7], [sflag:s22] =	dma.local [hbm:s5], s20  }
0x9e: {  	_ =	swait.ge [sflag:s22], s20  }
0x9f: {  	s4 =	ssub.s32 $0x0, s20;
	[sflag:s22] =	ssyncset.done $0x0  }
0xa0: {  	[sflag:s22] =	ssyncadd.s32 s4;
	_ =	sdelay $0x1  }
0xa1: {  	s23 =	simm.s32 $0x1B8B  }
0xa2: {  	_ =	swait.ge [sflag:s23], $0x1  }
0xa3: {  	[sflag:s23] =	ssyncset.done $0x0  }
0xa4: {  	s25 =	simm.s32 $0x1B8E;
	s24 =	sld [smem:$0x3FFE];
	[sflag:s23] =	ssyncadd.s32 $0xFFFFFFFF  }
0xa5: {  	s26 =	simm.s32 $execute0_lowered;
	[smem:$0x3FD2] =	sst s25  }
0xa6: {  	s5 =	sshll.u32 s26, $0x1;
	_ =	strace $0x80000046;
	[dreg:$0x1] =	wrdreg $0xFFFFFFFF  }
0xa7: {  	s28 =	simm.s32 $_size_execute0_lowered;
	s3 =	sadd.s32 s3, s5;
	[dreg:$0x0] =	wrdreg $0x0  }
0xa8: {  	s5 =	sshll.u32 s28, $0x1;
	[dreg:$0x2] =	wrdreg s3  }
0xa9: {  	[dreg:$0x3] =	wrdreg s5  }
0xaa: {  	[dreg:$0x4] =	wrdreg $0xC0  }
0xab: {  	_ =	task [dreg:s7], $0x5FFFF  }
0xac: {  	[dreg:$0x1] =	wrdreg $0xFFFFFFFF  }
0xad: {  	[dreg:$0x0] =	wrdreg $0x60  }
0xae: {  	[dreg:$0x2] =	wrdreg s24  }
0xaf: {  	[dreg:$0x3] =	wrdreg s2  }
0xb0: {  	[dreg:$0x4] =	wrdreg $0xCD000  }
0xb1: {  	[dreg:$0x5] =	wrdreg $0x9  }
0xb2: {  	_ =	task.clear_ibuf [dreg:s7], $0x6FFFF;
	_ =	strace $0x90000046  }
0xb3: {  	s29 =	simm.s32 $0x9;
	_ =	strace $0x80000048  }
0xb4: {  	_ =	swait.ge [sflag:s29], $0x1  }
0xb5: {  	[sflag:s29] =	ssyncadd.s32 $0xFFFFFFFF  }
0xb6: {  	_ =	strace $0x90000048  }
0xb7: {  	_ =	sfence  }
0xb8: {  	s30 =	sld [smem:$0x0];
	_ =	sdelay $0x2  }
0xb9: {  	s31 =	sshll.u32 s1, $0xD;
	s1 =	sshrl.u32 s1, $0x2  }
0xba: {  	s3 =	sand.u32 $0x4000, s31;
	s1 =	sadd.s32 s1, s30  }
0xbb: {  	s0 =	sor.u32 s3, s0;
	s1 =	sshll.u32 s1, $0x11  }
0xbc: {  	s0 =	sor.u32 s1, s0  }
0xbd: {  	s0 =	sadd.s32 $0x8F2B, s0  }
0xbe: {  	[sflag:s0] =	ssyncadd.remote.s32 $0x1  }
0xbf: {  	_ =	sfence.sel $0xFFFF  }
0xc0: {  	[dreg:$0x0] =	wrdreg $0xFFFFFFFF;
	(pc) =	sbr.abs _section_cstart, $3  }
0xc1: {  	[dreg:$0x1] =	wrdreg $0xFFFFFFFF  }
0xc2: {  	_ =	task.clear_ibuf [dreg:s7], $0x2FFFF;
	_ =	strace $0x9FFFFFFF  }
0xc3: {  	(tm) =	ssettm $0x7FFFFFFF  }
tec
execute0_lowered:
.L_overlay_start_1:
0x0: {  	(tag) =	ssettag $0x1  }
0x1: {  	s0 =	rddreg [dreg:$0x0]  }
0x2: {  	s2 =	rddreg [dreg:$0x1]  }
0x3: {  	s1 =	rddreg [dreg:$0x2];
	s3 =	srdreg.scid  }
0x4: {  	s11 =	stileid.u32;
	s14 =	simm.s32 $0x7D;
	s15 =	simm.s32 $0x5000  }
0x5: {  	s17 =	simm.s32 $0x6F40;
	s19 =	simm.s32 $0x8E80;
	s21 =	simm.s32 $0xADC0  }
0x6: {  	s22 =	simm.s32 $0x1;
	s23 =	simm.s32 $0x2;
	s28 =	simm.s32 $0x5  }
0x7: {  	s30 =	simm.s32 $0x4;
	s16 =	simm.s32 $0x7;
	s18 =	simm.s32 $0x8  }
0x8: {  	s20 =	simm.s32 $0x4F80;
	s24 =	simm.s32 $0x0;
	s7 =	sand.u32 $0x1, s3  }
0x9: {  	s3 =	simm.s32 $0x0;
	s5 =	sadd.s32 $0x1C00, s0;
	s26 =	smul.u32 $0x13880, s11  }
0xa: {  	s31 =	sshll.u32 s11, $0x6;
	s4 =	sshll.u32 s7, $0x4;
	[smem:$0x7FF] =	sst s3  }
0xb: {  	s6 =	ssub.s32 $0x2, s7;
	p0 =	seq.s32 s7, $0x1;
	s12 =	sor.u32 $0x1C09, s31  }
0xc: {  	s4 =	sor.u32 s11, s4;
	_ =	strace $0x80000047;
	s9 =	sshrl.u32 s6, $0x1  }
0xd: {  	s10 =	sshrl.u32 s26, $0x1;
	s29 =	sshrl.u32 s26, $0x4;
	s8 =	smul.u32 $0x2800, s4  }
0xe: {  	s11 =	simm.s32 $0x2800;
	s4 =	sadd.s32 $0x3000, s0;
	s9 =	ssub.s32 s6, s9  }
.Ltmp0:
0xf: {  	s13 =	sadd.s32 s10, s1;
	s25 =	sshrl.u32 s8, $0x3;
	(pc) =	sbr.rel .LBB2_1-.Ltmp0, $4  }
0x10: {  	s10 =	simm.s32 $0x9;
	s6 =	sadd.s32 s2, s25;
	s2 =	simm.s32 $0x2A400  }
0x11: {  	s13 =	sshrl.u32 s13, $0x3;
	s8 =	smax.u32 s9, $0x1;
	s2 =	simm.s32 @!p0 $0x16A00  }
0x12: {  	s25 =	simm.s32 $0x3;
	s7 =	sadd.s32 $0xA000, s6;
	s0 =	sadd.s32 s2, s0  }
0x13: {  	s2 =	simm.s32 $0x280;
	s9 =	sadd.s32 s0, s29;
	s0 =	simm.s32 $0x6  }
.LBB2_4:
0x14: {  	_ =	swait.ge [sflag:s30], $0x1F40  }
0x15: {  	[sflag:s30] =	ssyncset.done $0x0  }
0x16: {  	[sflag:s30] =	ssyncadd.s32 $0xFFFFE0C0  }
0x17: {  	[spmem:s1] =	stream.indirect.scatter.add.bf16 [tilespmem:s21], [sflag:$0x8], $0x40, s20, s14, $0xb8;
	[tilespmem:$0x16940] =	vst v63  }
0x18: {  	_ =	swait.ge [sflag:s28], $0x1F40  }
0x19: {  	[sflag:s28] =	ssyncset.done $0x0  }
0x1a: {  	[sflag:s28] =	ssyncadd.s32 $0xFFFFE0C0  }
0x1b: {  	_ =	swait.ge [sflag:s0], $0x1F40  }
0x1c: {  	[sflag:s0] =	ssyncset.done $0x0  }
0x1d: {  	[sflag:s0] =	ssyncadd.s32 $0xFFFFE0C0  }
0x1e: {  	_ =	swait.ge [sflag:s16], $0x1F40  }
0x1f: {  	[sflag:s16] =	ssyncset.done $0x0  }
0x20: {  	[sflag:s16] =	ssyncadd.s32 $0xFFFFE0C0  }
0x21: {  	_ =	swait.ge [sflag:s18], $0x1F40  }
0x22: {  	s24 =	sadd.s32 $0x1, s24;
	[sflag:s18] =	ssyncset.done $0x0  }
0x23: {  	p0 =	sne.s32 s24, s8;
	[sflag:s18] =	ssyncadd.s32 $0xFFFFE0C0  }
.Ltmp1:
0x24: {  	[bflag:$0x0] =	sbarrier.arrive $0xFFFF;
	(pc) =	sbr.rel @!p0 .LBB2_5-.Ltmp1, $4  }
0x25: {  	[hbm:s9], [sflag:s12] =	dma.local [spmem:s13], $0x1388  }
0x26: {  	_ =	swait.ge [sflag:s10], $0x1388  }
0x27: {  	[sflag:s10] =	ssyncset.done $0x0  }
0x28: {  	[sflag:s10] =	ssyncadd.s32 $0xFFFFEC78  }
.LBB2_1:
0x29: {  	[tilespmem:s3], [sflag:$0x9] =	stream.linear.gather [hbm4b:s6+s3], $0x2800, $0x38;
	[tilespmem:$0x16940] =	vst v63  }
0x2a: {  	_ =	swait.ge [sflag:s10], $0x2800  }
0x2b: {  	[sflag:s10] =	ssyncset.done $0x0  }
0x2c: {  	[sflag:s10] =	ssyncadd.s32 $0xFFFFD800  }
0x2d: {  	[tilespmem:s11], [sflag:$0x9] =	stream.linear.gather [hbm4b:s7+s3], $0x2800, $0x38;
	[tilespmem:$0x16940] =	vst v63  }
0x2e: {  	_ =	swait.ge [sflag:s10], $0x2800  }
0x2f: {  	[sflag:s10] =	ssyncset.done $0x0  }
0x30: {  	[sflag:s10] =	ssyncadd.s32 $0xFFFFD800  }
0x31: {  	[spmem:s13], [sflag:s12] =	dma.local [hbm:s5], $0x1388  }
0x32: {  	_ =	swait.ge [sflag:s10], $0x1388  }
0x33: {  	[sflag:s10] =	ssyncset.done $0x0  }
0x34: {  	[sflag:s10] =	ssyncadd.s32 $0xFFFFEC78  }
0x35: {  	[bflag:$0x0] =	sbarrier.arrive $0xFFFF  }
0x36: {  	[tilespmem:s15], [sflag:$0x1] =	stream.indirect.gather [hbm4b:s4+s14], $0x40, s3, s14, $0xb8;
	[tilespmem:$0x16940] =	vst v63  }
0x37: {  	s26 =	simm.s32 $0x80  }
0x38: {  	[tilespmem:s17], [sflag:$0x2] =	stream.indirect.gather [hbm4b:s4+s14], $0x40, s26, s14, $0xb8;
	[tilespmem:$0x16940] =	vst v63  }
0x39: {  	s29 =	simm.s32 $0x100  }
0x3a: {  	[tilespmem:s19], [sflag:$0x3] =	stream.indirect.gather [hbm4b:s4+s14], $0x40, s29, s14, $0xb8;
	[tilespmem:$0x16940] =	vst v63  }
0x3b: {  	s31 =	simm.s32 $0x180  }
0x3c: {  	[tilespmem:s21], [sflag:$0x4] =	stream.indirect.gather [hbm4b:s4+s14], $0x40, s31, s14, $0xb8;
	[tilespmem:$0x16940] =	vst v63  }
0x3d: {  	_ =	swait.ge [sflag:s22], $0x1F40  }
0x3e: {  	[sflag:s22] =	ssyncset.done $0x0  }
0x3f: {  	[sflag:s22] =	ssyncadd.s32 $0xFFFFE0C0  }
0x40: {  	[spmem:s1] =	stream.indirect.scatter.add.bf16 [tilespmem:s15], [sflag:$0x5], $0x40, s11, s14, $0xb8;
	[tilespmem:$0x16940] =	vst v63  }
0x41: {  	_ =	swait.ge [sflag:s23], $0x1F40  }
0x42: {  	[sflag:s23] =	ssyncset.done $0x0  }
0x43: {  	s29 =	simm.s32 $0x2880;
	[sflag:s23] =	ssyncadd.s32 $0xFFFFE0C0  }
0x44: {  	[spmem:s1] =	stream.indirect.scatter.add.bf16 [tilespmem:s17], [sflag:$0x6], $0x40, s29, s14, $0xb8;
	[tilespmem:$0x16940] =	vst v63  }
0x45: {  	_ =	swait.ge [sflag:s25], $0x1F40  }
0x46: {  	[sflag:s25] =	ssyncset.done $0x0  }
0x47: {  	s31 =	simm.s32 $0x2900;
	[sflag:s25] =	ssyncadd.s32 $0xFFFFE0C0  }
0x48: {  	[spmem:s1] =	stream.indirect.scatter.add.bf16 [tilespmem:s19], [sflag:$0x7], $0x40, s31, s14, $0xb8;
	[tilespmem:$0x16940] =	vst v63  }
0x49: {  	_ =	swait.ge [sflag:s28], $0x1F40  }
0x4a: {  	[sflag:s28] =	ssyncset.done $0x0  }
0x4b: {  	s29 =	simm.s32 $0x200;
	[sflag:s28] =	ssyncadd.s32 $0xFFFFE0C0  }
0x4c: {  	[tilespmem:s15], [sflag:$0x1] =	stream.indirect.gather [hbm4b:s4+s14], $0x40, s29, s14, $0xb8;
	[tilespmem:$0x16940] =	vst v63  }
0x4d: {  	_ =	swait.ge [sflag:s30], $0x1F40  }
0x4e: {  	[sflag:s30] =	ssyncset.done $0x0  }
0x4f: {  	s31 =	simm.s32 $0x2980;
	[sflag:s30] =	ssyncadd.s32 $0xFFFFE0C0  }
0x50: {  	[spmem:s1] =	stream.indirect.scatter.add.bf16 [tilespmem:s21], [sflag:$0x8], $0x40, s31, s14, $0xb8;
	[tilespmem:$0x16940] =	vst v63  }
0x51: {  	_ =	swait.ge [sflag:s0], $0x1F40  }
0x52: {  	[sflag:s0] =	ssyncset.done $0x0  }
0x53: {  	s26 =	simm.s32 $0x0;
	[sflag:s0] =	ssyncadd.s32 $0xFFFFE0C0  }
0x54: {  	[tilespmem:s17], [sflag:$0x2] =	stream.indirect.gather [hbm4b:s4+s14], $0x40, s2, s14, $0xb8;
	[tilespmem:$0x16940] =	vst v63  }
.LBB2_2:
0x55: {  	_ =	swait.ge [sflag:s22], $0x1F40  }
0x56: {  	s29 =	sshra.s32 s26, $0x2;
	[sflag:s22] =	ssyncset.done $0x0  }
0x57: {  	s31 =	sadd.s32 $0x2A00, s29;
	[sflag:s22] =	ssyncadd.s32 $0xFFFFE0C0  }
0x58: {  	[spmem:s1] =	stream.indirect.scatter.add.bf16 [tilespmem:s15], [sflag:$0x5], $0x40, s31, s14, $0xb8;
	[tilespmem:$0x16940] =	vst v63  }
0x59: {  	_ =	swait.ge [sflag:s16], $0x1F40  }
0x5a: {  	[sflag:s16] =	ssyncset.done $0x0  }
0x5b: {  	s31 =	sadd.s32 $0x300, s29;
	[sflag:s16] =	ssyncadd.s32 $0xFFFFE0C0  }
0x5c: {  	[tilespmem:s19], [sflag:$0x3] =	stream.indirect.gather [hbm4b:s4+s14], $0x40, s31, s14, $0xb8;
	[tilespmem:$0x16940] =	vst v63  }
0x5d: {  	_ =	swait.ge [sflag:s23], $0x1F40  }
0x5e: {  	[sflag:s23] =	ssyncset.done $0x0  }
0x5f: {  	s31 =	sadd.s32 $0x2A80, s29;
	[sflag:s23] =	ssyncadd.s32 $0xFFFFE0C0  }
0x60: {  	[spmem:s1] =	stream.indirect.scatter.add.bf16 [tilespmem:s17], [sflag:$0x6], $0x40, s31, s14, $0xb8;
	[tilespmem:$0x16940] =	vst v63  }
0x61: {  	_ =	swait.ge [sflag:s18], $0x1F40  }
0x62: {  	[sflag:s18] =	ssyncset.done $0x0  }
0x63: {  	p0 =	seq.s32 s26, $0x9000;
	s31 =	sadd.s32 $0x380, s29;
	[sflag:s18] =	ssyncadd.s32 $0xFFFFE0C0  }
0x64: {  	[tilespmem:s21], [sflag:$0x4] =	stream.indirect.gather [hbm4b:s4+s14], $0x40, s31, s14, $0xb8;
	[tilespmem:$0x16940] =	vst v63  }
.Ltmp2:
0x65: {  	_ = 	snop;
	(pc) =	sbr.rel @p0 .LBB2_4-.Ltmp2, $4  }
0x66: {  	_ =	swait.ge [sflag:s25], $0x1F40  }
0x67: {  	[sflag:s25] =	ssyncset.done $0x0  }
0x68: {  	s31 =	sadd.s32 $0x2B00, s29;
	[sflag:s25] =	ssyncadd.s32 $0xFFFFE0C0  }
0x69: {  	[spmem:s1] =	stream.indirect.scatter.add.bf16 [tilespmem:s19], [sflag:$0x7], $0x40, s31, s14, $0xb8;
	[tilespmem:$0x16940] =	vst v63  }
0x6a: {  	_ =	swait.ge [sflag:s28], $0x1F40  }
0x6b: {  	[sflag:s28] =	ssyncset.done $0x0  }
0x6c: {  	s31 =	sadd.s32 $0x400, s29;
	[sflag:s28] =	ssyncadd.s32 $0xFFFFE0C0  }
0x6d: {  	[tilespmem:s15], [sflag:$0x1] =	stream.indirect.gather [hbm4b:s4+s14], $0x40, s31, s14, $0xb8;
	[tilespmem:$0x16940] =	vst v63  }
0x6e: {  	_ =	swait.ge [sflag:s30], $0x1F40  }
0x6f: {  	[sflag:s30] =	ssyncset.done $0x0  }
0x70: {  	s31 =	sadd.s32 $0x2B80, s29;
	[sflag:s30] =	ssyncadd.s32 $0xFFFFE0C0  }
0x71: {  	[spmem:s1] =	stream.indirect.scatter.add.bf16 [tilespmem:s21], [sflag:$0x8], $0x40, s31, s14, $0xb8;
	[tilespmem:$0x16940] =	vst v63  }
.Ltmp3:
0x72: {  	_ = 	snop;
	(pc) =	sbr.rel .LBB2_2-.Ltmp3, $4  }
0x73: {  	_ =	swait.ge [sflag:s0], $0x1F40  }
0x74: {  	[sflag:s0] =	ssyncset.done $0x0  }
0x75: {  	s26 =	sadd.s32 $0x800, s26;
	s31 =	sadd.s32 $0x480, s29;
	[sflag:s0] =	ssyncadd.s32 $0xFFFFE0C0  }
0x76: {  	[tilespmem:s17], [sflag:$0x2] =	stream.indirect.gather [hbm4b:s4+s14], $0x40, s31, s14, $0xb8;
	[tilespmem:$0x16940] =	vst v63  }
.LBB2_5:
0x77: {  	_ =	sfence.sel $0x180000  }
0x78: {  	[bflag:$0x0] =	sbarrier.arrive $0xFFFF  }
0x79: {  	_ =	strace $0x90000047  }
0x7a: {  	s0 =	stileid.u32;
	[bflag:$0x2] =	sbarrier.arrive $0xFFFF  }
0x7b: {  	p0 =	sne.s32 s0, $0x0;
	s0 =	rddreg [dreg:$0x3]  }
0x7c: {  	s0 =	sadd.s32 @!p0 $0x100000, s0  }
0x7d: {  	[sflag:s0] =	ssyncadd.tile.s32 @!p0 $0x1;
	_ =	shalt  }
.Lfunc_end2:
_tile_overlayer_lowered:
.L_overlay_start_2:
0x7e: {  	(tag) =	ssettag $0x2  }
0x7f: {  	s0 =	rddreg [dreg:$0x0];
	s2 =	stileid.u32  }
0x80: {  	s1 =	rddreg [dreg:$0x1];
	p0 =	sne.s32 s2, $0x0  }
0x81: {  	s3 =	rddreg [dreg:$0x2];
	[bflag:$0x3] =	sbarrier.arrive $0xFFFF;
	s2 =	simm.s32 @!p0 $0x1C09  }
0x82: {  	[timem:s3], [sflag:s2] =	dma.local @!p0 [hbm:s0], s1  }
0x83: {  	s0 =	simm.s32 @!p0 $0x9  }
0x84: {  	_ =	swait.ge @!p0 [sflag:s0], s1  }
0x85: {  	s1 =	ssub.s32 @!p0 $0x0, s1;
	[sflag:s0] =	ssyncset.done @!p0 $0x0  }
0x86: {  	[sflag:s0] =	ssyncadd.s32 @!p0 s1  }
0x87: {  	[bflag:$0x3] =	sbarrier.arrive $0xFFFF  }
0x88: {  	_ =	shalt  }

</sc_bundles>
